<compile_context>
chip_gen: v7x
topology: tpu7x:2x2x1
jax: 0.10.2.dev20260603
libtpu: 0.0.44.dev20260713+nightly
codegen_flags: <defaults>
</compile_context>

<pallas_src>
import functools

import jax
import jax.numpy as jnp
import numpy as np
from jax import lax
from jax.experimental import pallas as pl
from jax.experimental.pallas import tpu as pltpu
from jax.experimental.pallas import tpu_sc as plsc

B, S, H = 1, 2048, 1024
NH, HD = 16, 64
E, K, I = 8, 2, 512
EPS = 1e-6
BS = 512
BLKR = 256
PT = K * S + E * BLKR
NBLK = PT // BLKR
NW = 32
TPW = S // NW
CH = 32


def _dot_t(a, b):
    return jax.lax.dot_general(a.astype(jnp.bfloat16), b.astype(jnp.bfloat16),
                               (((1,), (1,)), ((), ())),
                               preferred_element_type=jnp.float32)


def _dotp(a, b):
    return jax.lax.dot_general(a.astype(jnp.bfloat16), b.astype(jnp.bfloat16),
                               (((1,), (0,)), ((), ())),
                               preferred_element_type=jnp.float32)


def _rmsnorm(x, w):
    v = jnp.mean(x.astype(jnp.float32) ** 2, axis=-1, keepdims=True)
    return (x.astype(jnp.float32) * jax.lax.rsqrt(v + EPS)).astype(x.dtype) * w



def _route_kernel(lg_ref, dests_ref, w0_ref, w1_ref, be_ref, nact_ref):
    logits = lg_ref[...]
    lane = jax.lax.broadcasted_iota(jnp.int32, (S, 128), 1)
    lanef = lane.astype(jnp.float32)
    t1v = jnp.max(logits, axis=-1, keepdims=True)
    i1 = jnp.min(jnp.where(logits == t1v, lane, 999), axis=-1, keepdims=True)
    neg2 = jnp.where(lane == i1, -jnp.inf, logits)
    t2v = jnp.max(neg2, axis=-1, keepdims=True)
    i2 = jnp.min(jnp.where(neg2 == t2v, lane, 999), axis=-1, keepdims=True)
    z = jnp.exp(t2v - t1v)
    w0 = 1.0 / (1.0 + z)
    w1 = z / (1.0 + z)
    i1f = i1.astype(jnp.float32)
    i2f = i2.astype(jnp.float32)

    m0 = jnp.where(lanef == i1f, 1.0, 0.0)
    m1p = jnp.where(lanef == i2f + 8.0, 1.0, 0.0)
    mboth = m0 + m1p
    r_i = jax.lax.broadcasted_iota(jnp.int32, (S, S), 0)
    c_i = jax.lax.broadcasted_iota(jnp.int32, (S, S), 1)
    tri = jnp.where(c_i <= r_i, 1.0, 0.0)
    c = _dotp(tri, mboth)
    tot = c[S - 1:S, :]
    shr = lambda a, sh: jnp.concatenate(
        [jnp.zeros((1, sh), a.dtype), a[:, :128 - sh]], axis=1)
    shl = lambda a, sh: jnp.concatenate(
        [a[:, sh:], jnp.zeros((1, sh), a.dtype)], axis=1)
    lane1 = jax.lax.broadcasted_iota(jnp.int32, (1, 128), 1).astype(jnp.float32)
    tot0 = jnp.where(lane1 < 8, tot, 0.0)
    n = tot0 + shl(tot, 8)
    n = jnp.where(lane1 < 8, n, 0.0)
    padded = jnp.floor((n + (BLKR - 1.0)) * (1.0 / BLKR)) * BLKR
    incl = padded
    for sh in (1, 2, 4):
        incl = incl + shr(incl, sh)
    offs = incl - padded
    base = (jnp.where(lane1 < 8, offs, 0.0)
            + jnp.where((lane1 >= 8) & (lane1 < 16),
                        shr(offs + tot0, 8), 0.0))
    q = mboth * (base + c - 1.0)
    dest0 = jnp.sum(jnp.where(lanef < 8, q, 0.0), axis=-1, keepdims=True)
    dest1 = jnp.sum(jnp.where(lanef >= 8, q, 0.0), axis=-1, keepdims=True)
    dests_ref[...] = (jnp.where(lanef == 0, dest0, 0.0)
                      + jnp.where(lanef == 1, dest1, 0.0)).astype(jnp.int32)
    w0_ref[...] = jnp.broadcast_to(w0, (S, 128))
    w1_ref[...] = jnp.broadcast_to(w1, (S, 128))
    bstart = (jax.lax.broadcasted_iota(jnp.int32, (128, 128), 0)
              .astype(jnp.float32) * BLKR)
    cc = jax.lax.broadcasted_iota(jnp.int32, (128, 128), 1).astype(jnp.float32)
    offs_b = jnp.broadcast_to(offs, (128, 128))
    cmp = jnp.where((offs_b <= bstart) & (cc < 8), 1.0, 0.0)
    be_ref[...] = (jnp.sum(cmp, axis=-1, keepdims=True) - 1.0).astype(jnp.int32)
    total = jnp.sum(jnp.where(lane1 == 7.0, incl, 0.0), axis=-1, keepdims=True)
    nact_ref[...] = (total * (1.0 / BLKR)).astype(jnp.int32)


def _moe_mlp_kernel(be_ref, xs_ref, wg_ref, wu_ref, wd_ref, ys_ref):
    @pl.when(pl.program_id(0) < be_ref[NBLK])
    def _():
        xs = xs_ref[...]
        g = _dot_t(xs, wg_ref[0])
        u = _dot_t(xs, wu_ref[0])
        h = g * jax.nn.sigmoid(g) * u
        ys_ref[...] = _dot_t(h, wd_ref[0])


def _fin_kernel(x1_ref, y0_ref, y1_ref, w0_ref, w1_ref, out_ref):
    out_ref[...] = (x1_ref[...] + w0_ref[:, :1] * y0_ref[...]
                    + w1_ref[:, :1] * y1_ref[...])



def _moe_dispatch_body(r2_hbm, d0_hbm, d1_hbm, xs_hbm, i0_v, i1_v, rows_v,
                       sem):
    wid = lax.axis_index("s") * 2 + lax.axis_index("c")
    base = wid * TPW
    pltpu.sync_copy(d0_hbm.at[pl.ds(base, TPW)], i0_v)
    pltpu.sync_copy(d1_hbm.at[pl.ds(base, TPW)], i1_v)
    pltpu.sync_copy(r2_hbm.at[pl.ds(base, TPW)], rows_v)
    pltpu.async_copy(rows_v, xs_hbm.at[i0_v], sem).wait()
    pltpu.async_copy(rows_v, xs_hbm.at[i1_v], sem).wait()


def _moe_gather_body(ys_hbm, d0_hbm, d1_hbm, y0_hbm, y1_hbm,
                     i_v, buf_v, sem):
    wid = lax.axis_index("s") * 2 + lax.axis_index("c")
    for cidx in range(TPW // CH):
        tb = wid * TPW + cidx * CH
        pltpu.sync_copy(d0_hbm.at[pl.ds(tb, CH)], i_v)
        pltpu.async_copy(ys_hbm.at[i_v], buf_v, sem).wait()
        pltpu.sync_copy(buf_v, y0_hbm.at[pl.ds(tb, CH)])
        pltpu.sync_copy(d1_hbm.at[pl.ds(tb, CH)], i_v)
        pltpu.async_copy(ys_hbm.at[i_v], buf_v, sem).wait()
        pltpu.sync_copy(buf_v, y1_hbm.at[pl.ds(tb, CH)])


@functools.cache
def _sc_kernels():
    mesh = plsc.VectorSubcoreMesh(core_axis_name="c", subcore_axis_name="s")
    dispatch = pl.kernel(
        _moe_dispatch_body,
        mesh=mesh,
        out_type=jax.ShapeDtypeStruct((PT, H), jnp.float32),
        scratch_types=[
            pltpu.VMEM((TPW,), jnp.int32),
            pltpu.VMEM((TPW,), jnp.int32),
            pltpu.VMEM((TPW, H), jnp.float32),
            pltpu.SemaphoreType.DMA,
        ],
    )
    gather = pl.kernel(
        _moe_gather_body,
        mesh=mesh,
        out_type=[jax.ShapeDtypeStruct((S, H), jnp.float32),
                  jax.ShapeDtypeStruct((S, H), jnp.float32)],
        scratch_types=[
            pltpu.VMEM((CH,), jnp.int32),
            pltpu.VMEM((CH, H), jnp.float32),
            pltpu.SemaphoreType.DMA,
        ],
    )
    return dispatch, gather



def kernel(hidden_states, ln1, ln2, Wq, Wk, Wv, Wo, Wr, Wg, Wu, Wd):
    x = hidden_states
    r = _rmsnorm(x, ln1)
    q = (r @ Wq.T).reshape(B, S, NH, HD).transpose(0, 2, 1, 3)
    k = (r @ Wk.T).reshape(B, S, NH, HD).transpose(0, 2, 1, 3)
    v = (r @ Wv.T).reshape(B, S, NH, HD).transpose(0, 2, 1, 3)
    scores = (q @ k.transpose(0, 1, 3, 2)) / np.sqrt(HD)
    attn = jax.nn.softmax(scores, axis=-1)
    o = (attn @ v).transpose(0, 2, 1, 3).reshape(B, S, H) @ Wo.T
    x1 = (x + o).reshape(S, H)
    r2 = _rmsnorm(x1, ln2)
    logits = r2 @ Wr.T
    lg_pad = jnp.concatenate(
        [logits, jnp.full((S, 128 - E), -1e30, jnp.float32)], axis=1)

    rowblk = pl.BlockSpec((BS, H), lambda i: (i, 0))
    blk128 = pl.BlockSpec((S, 128), lambda i: (0, 0))

    dests, w0b, w1b, be, nact = pl.pallas_call(
        _route_kernel,
        grid=(1,),
        in_specs=[blk128],
        out_specs=[blk128, blk128, blk128,
                   pl.BlockSpec((128, 1), lambda i: (0, 0)),
                   pl.BlockSpec((1, 1), lambda i: (0, 0))],
        out_shape=[
            jax.ShapeDtypeStruct((S, 128), jnp.int32),
            jax.ShapeDtypeStruct((S, 128), jnp.float32),
            jax.ShapeDtypeStruct((S, 128), jnp.float32),
            jax.ShapeDtypeStruct((128, 1), jnp.int32),
            jax.ShapeDtypeStruct((1, 1), jnp.int32),
        ],
    )(lg_pad)

    d0 = dests[:, 0]
    d1 = dests[:, 1]
    be_host = jnp.concatenate([be[:NBLK, 0], nact[0]])

    moe_dispatch, moe_gather = _sc_kernels()
    xs = moe_dispatch(r2, d0, d1)

    ys = pl.pallas_call(
        _moe_mlp_kernel,
        grid_spec=pltpu.PrefetchScalarGridSpec(
            num_scalar_prefetch=1,
            grid=(NBLK,),
            in_specs=[
                pl.BlockSpec((BLKR, H), lambda i, be_s: (i, 0)),
                pl.BlockSpec((1, I, H), lambda i, be_s: (be_s[i], 0, 0)),
                pl.BlockSpec((1, I, H), lambda i, be_s: (be_s[i], 0, 0)),
                pl.BlockSpec((1, H, I), lambda i, be_s: (be_s[i], 0, 0)),
            ],
            out_specs=pl.BlockSpec((BLKR, H), lambda i, be_s: (i, 0)),
        ),
        out_shape=jax.ShapeDtypeStruct((PT, H), jnp.float32),
    )(be_host, xs, Wg, Wu, Wd)

    y0s, y1s = moe_gather(ys, d0, d1)

    out = pl.pallas_call(
        _fin_kernel,
        grid=(S // BS,),
        in_specs=[rowblk, rowblk, rowblk,
                  pl.BlockSpec((BS, 128), lambda i: (i, 0)),
                  pl.BlockSpec((BS, 128), lambda i: (i, 0))],
        out_specs=rowblk,
        out_shape=jax.ShapeDtypeStruct((S, H), jnp.float32),
    )(x1, y0s, y1s, w0b, w1b)
    return out.reshape(B, S, H)

# --- scband reference (transcript-rebuilt; emitter-appended) ---
"""Pipeline reference for scband-moe-decoder-layer-63891933495372 (READ-ONLY COPY).

The authoritative reference and input builder live on the scoring server;
editing this copy changes nothing except your own understanding.
"""

import jax, jax.numpy as jnp
import numpy as np

B, S, H = 1, 2048, 1024
NH = 16
HD = H // NH
E = 8
K = 2
I = 512
EPS = 1e-6


def rmsnorm(x, w, eps=EPS):
    v = jnp.mean(x.astype(jnp.float32) ** 2, axis=-1, keepdims=True)
    return (x.astype(jnp.float32) * jax.lax.rsqrt(v + eps)).astype(x.dtype) * w


def setup_inputs(seed: int = 0) -> dict:
    key = jax.random.key(seed)
    ks = jax.random.split(key, 12)
    def init(k, shape, fan_in):
        return jax.random.normal(k, shape, jnp.float32) * (1.0 / np.sqrt(fan_in))
    return {
        "hidden_states": jax.random.normal(ks[0], (B, S, H), jnp.float32),
        "ln1": jnp.ones((H,), jnp.float32),
        "ln2": jnp.ones((H,), jnp.float32),
        "Wq": init(ks[1], (H, H), H),
        "Wk": init(ks[2], (H, H), H),
        "Wv": init(ks[3], (H, H), H),
        "Wo": init(ks[4], (H, H), H),
        "Wr": init(ks[5], (E, H), H),
        "Wg": init(ks[6], (E, I, H), H),
        "Wu": init(ks[7], (E, I, H), H),
        "Wd": init(ks[8], (E, H, I), I),
    }


def reference(hidden_states, ln1, ln2, Wq, Wk, Wv, Wo, Wr, Wg, Wu, Wd):
    x = hidden_states
    # --- self attention (no mask, no RoPE: attention_mask=None, position_embeddings=None) ---
    r = rmsnorm(x, ln1)
    q = (r @ Wq.T).reshape(B, S, NH, HD).transpose(0, 2, 1, 3)
    k = (r @ Wk.T).reshape(B, S, NH, HD).transpose(0, 2, 1, 3)
    v = (r @ Wv.T).reshape(B, S, NH, HD).transpose(0, 2, 1, 3)
    scores = (q @ k.transpose(0, 1, 3, 2)) / np.sqrt(HD)
    attn = jax.nn.softmax(scores, axis=-1)
    o = (attn @ v).transpose(0, 2, 1, 3).reshape(B, S, H) @ Wo.T
    x = x + o
    # --- sparse MoE block ---
    r2 = rmsnorm(x, ln2).reshape(-1, H)
    T = r2.shape[0]
    router_logits = r2 @ Wr.T
    routing = jax.nn.softmax(router_logits.astype(jnp.float32), axis=-1)
    top_w, top_i = jax.lax.top_k(routing, K)
    top_w = top_w / jnp.sum(top_w, axis=-1, keepdims=True)  # norm_topk_prob=True
    top_w = top_w.astype(x.dtype)
    # combine weights per (token, expert); zeros for non-selected experts
    comb = jnp.zeros((T, E), x.dtype).at[jnp.arange(T)[:, None], top_i].add(top_w)
    # dense-equivalent expert computation (SwiGLU MLP per expert, weighted sum)
    g = jnp.einsum('th,eih->tei', r2, Wg)
    u = jnp.einsum('th,eih->tei', r2, Wu)
    h = jax.nn.silu(g) * u
    y = jnp.einsum('tei,ehi->teh', h, Wd)
    moe_out = jnp.einsum('te,teh->th', comb, y)
    x = x + moe_out.reshape(B, S, H)
    return x

if __name__ == "__main__":
    import jax
    _d = setup_inputs()
    print(jax.jit(kernel)(*tuple(_d.values())))

</pallas_src>

<mosaic_0001>
#map = affine_map<(d0, d1) -> (0, 0)>
#map1 = affine_map<(d0, d1) -> (0)>
module attributes {stable_mosaic.version = 14 : i64} {
  func.func @_moe_dispatch_body(%arg0: i32, %arg1: i32, %arg2: memref<2048x1024xf32, #tpu.memory_space<hbm>>, %arg3: memref<2048xi32, #tpu.memory_space<hbm>>, %arg4: memref<2048xi32, #tpu.memory_space<hbm>>, %arg5: memref<6144x1024xf32, #tpu.memory_space<hbm>>, %arg6: memref<64xi32, #tpu.memory_space<vmem>>, %arg7: memref<64xi32, #tpu.memory_space<vmem>>, %arg8: memref<64x1024xf32, #tpu.memory_space<vmem>>, %arg9: memref<!tpu.dma_semaphore, #tpu.memory_space<semaphore_mem>>) attributes {dimension_semantics = [#tpu.dimension_semantics<core_parallel>, #tpu.dimension_semantics<subcore_parallel>], iteration_bounds = array<i64: 2, 16>, scalar_prefetch = 0 : i64, scratch_operands = 4 : i64, tpu.core_type = #tpu.core_type<sc_vector_subcore>, window_params = [{transform_indices = #map}, {transform_indices = #map1}, {transform_indices = #map1}, {transform_indices = #map}]} {
    %mul3A = arith.constant 2 : i32
    %mul3A_0 = arith.muli %arg1, %mul3A : i32
    %add3A = arith.addi %mul3A_0, %arg0 : i32
    %mul3A_1 = arith.constant 64 : i32
    %mul3A_2 = arith.muli %add3A, %mul3A_1 : i32
    "tpu.region"() ({
      %run_scoped3A = tpu.sem_alloc : memref<!tpu.dma_semaphore, #tpu.memory_space<semaphore_mem>>
      %dma_start3A_13 = tpu.memref_slice %arg3[%mul3A_2] : memref<2048xi32, #tpu.memory_space<hbm>> -> memref<64xi32, #tpu.memory_space<hbm>>
      %dma_start3A_14 = tpu.memref_slice %arg3[%mul3A_2] : memref<2048xi32, #tpu.memory_space<hbm>> -> memref<64xi32, #tpu.memory_space<hbm>>
      tpu.enqueue_dma source(%dma_start3A_14 : memref<64xi32, #tpu.memory_space<hbm>>) target(%arg6 : memref<64xi32, #tpu.memory_space<vmem>>) target_semaphore(%run_scoped3A : memref<!tpu.dma_semaphore, #tpu.memory_space<semaphore_mem>>)
      %dma_wait3A_15 = tpu.memref_slice %arg3[%mul3A_2] : memref<2048xi32, #tpu.memory_space<hbm>> -> memref<64xi32, #tpu.memory_space<hbm>>
      %dma_wait3A_16 = tpu.memref_slice %arg3[%mul3A_2] : memref<2048xi32, #tpu.memory_space<hbm>> -> memref<64xi32, #tpu.memory_space<hbm>>
      tpu.wait_dma2 semaphore(%run_scoped3A : memref<!tpu.dma_semaphore, #tpu.memory_space<semaphore_mem>>) src(%dma_wait3A_16 : memref<64xi32, #tpu.memory_space<hbm>>) dst(%arg6 : memref<64xi32, #tpu.memory_space<vmem>>)
      tpu.yield
    }) : () -> ()
    "tpu.region"() ({
      %run_scoped3A = tpu.sem_alloc : memref<!tpu.dma_semaphore, #tpu.memory_space<semaphore_mem>>
      %dma_start3A_13 = tpu.memref_slice %arg4[%mul3A_2] : memref<2048xi32, #tpu.memory_space<hbm>> -> memref<64xi32, #tpu.memory_space<hbm>>
      %dma_start3A_14 = tpu.memref_slice %arg4[%mul3A_2] : memref<2048xi32, #tpu.memory_space<hbm>> -> memref<64xi32, #tpu.memory_space<hbm>>
      tpu.enqueue_dma source(%dma_start3A_14 : memref<64xi32, #tpu.memory_space<hbm>>) target(%arg7 : memref<64xi32, #tpu.memory_space<vmem>>) target_semaphore(%run_scoped3A : memref<!tpu.dma_semaphore, #tpu.memory_space<semaphore_mem>>)
      %dma_wait3A_15 = tpu.memref_slice %arg4[%mul3A_2] : memref<2048xi32, #tpu.memory_space<hbm>> -> memref<64xi32, #tpu.memory_space<hbm>>
      %dma_wait3A_16 = tpu.memref_slice %arg4[%mul3A_2] : memref<2048xi32, #tpu.memory_space<hbm>> -> memref<64xi32, #tpu.memory_space<hbm>>
      tpu.wait_dma2 semaphore(%run_scoped3A : memref<!tpu.dma_semaphore, #tpu.memory_space<semaphore_mem>>) src(%dma_wait3A_16 : memref<64xi32, #tpu.memory_space<hbm>>) dst(%arg7 : memref<64xi32, #tpu.memory_space<vmem>>)
      tpu.yield
    }) : () -> ()
    "tpu.region"() ({
      %run_scoped3A = tpu.sem_alloc : memref<!tpu.dma_semaphore, #tpu.memory_space<semaphore_mem>>
      %dma_start3A_13 = arith.constant 0 : i32
      %dma_start3A_14 = tpu.memref_slice %arg2[%mul3A_2, %dma_start3A_13] : memref<2048x1024xf32, #tpu.memory_space<hbm>> -> memref<64x1024xf32, #tpu.memory_space<hbm>>
      %dma_start3A_15 = arith.constant 0 : i32
      %dma_start3A_16 = tpu.memref_slice %arg2[%mul3A_2, %dma_start3A_15] : memref<2048x1024xf32, #tpu.memory_space<hbm>> -> memref<64x1024xf32, #tpu.memory_space<hbm>>
      tpu.enqueue_dma source(%dma_start3A_16 : memref<64x1024xf32, #tpu.memory_space<hbm>>) target(%arg8 : memref<64x1024xf32, #tpu.memory_space<vmem>>) target_semaphore(%run_scoped3A : memref<!tpu.dma_semaphore, #tpu.memory_space<semaphore_mem>>)
      %dma_wait3A_17 = arith.constant 0 : i32
      %dma_wait3A_18 = tpu.memref_slice %arg2[%mul3A_2, %dma_wait3A_17] : memref<2048x1024xf32, #tpu.memory_space<hbm>> -> memref<64x1024xf32, #tpu.memory_space<hbm>>
      %dma_wait3A_19 = arith.constant 0 : i32
      %dma_wait3A_20 = tpu.memref_slice %arg2[%mul3A_2, %dma_wait3A_19] : memref<2048x1024xf32, #tpu.memory_space<hbm>> -> memref<64x1024xf32, #tpu.memory_space<hbm>>
      tpu.wait_dma2 semaphore(%run_scoped3A : memref<!tpu.dma_semaphore, #tpu.memory_space<semaphore_mem>>) src(%dma_wait3A_20 : memref<64x1024xf32, #tpu.memory_space<hbm>>) dst(%arg8 : memref<64x1024xf32, #tpu.memory_space<vmem>>)
      tpu.yield
    }) : () -> ()
    %dma_start3A = arith.constant 0 : i32
    %dma_start3A_3 = arith.constant 0 : i32
    %dma_start3A_4 = tpu.memref_slice %arg5[%dma_start3A, %dma_start3A_3] : memref<6144x1024xf32, #tpu.memory_space<hbm>> -> memref<6144x1024xf32, #tpu.memory_space<hbm>>
    tpu.enqueue_indirect_dma source(%arg8 : memref<64x1024xf32, #tpu.memory_space<vmem>>) target(%dma_start3A_4 : memref<6144x1024xf32, #tpu.memory_space<hbm>>) offsets(%arg6 : memref<64xi32, #tpu.memory_space<vmem>>) semaphore(%arg9 : memref<!tpu.dma_semaphore, #tpu.memory_space<semaphore_mem>>)
    %dma_wait3A = arith.constant 0 : i32
    %dma_wait3A_5 = arith.constant 0 : i32
    %dma_wait3A_6 = tpu.memref_slice %arg5[%dma_wait3A, %dma_wait3A_5] : memref<6144x1024xf32, #tpu.memory_space<hbm>> -> memref<6144x1024xf32, #tpu.memory_space<hbm>>
    tpu.wait_indirect_dma semaphore(%arg9 : memref<!tpu.dma_semaphore, #tpu.memory_space<semaphore_mem>>) src(%arg8 : memref<64x1024xf32, #tpu.memory_space<vmem>>) dst(%dma_wait3A_6 : memref<6144x1024xf32, #tpu.memory_space<hbm>>)
    %dma_start3A_7 = arith.constant 0 : i32
    %dma_start3A_8 = arith.constant 0 : i32
    %dma_start3A_9 = tpu.memref_slice %arg5[%dma_start3A_7, %dma_start3A_8] : memref<6144x1024xf32, #tpu.memory_space<hbm>> -> memref<6144x1024xf32, #tpu.memory_space<hbm>>
    tpu.enqueue_indirect_dma source(%arg8 : memref<64x1024xf32, #tpu.memory_space<vmem>>) target(%dma_start3A_9 : memref<6144x1024xf32, #tpu.memory_space<hbm>>) offsets(%arg7 : memref<64xi32, #tpu.memory_space<vmem>>) semaphore(%arg9 : memref<!tpu.dma_semaphore, #tpu.memory_space<semaphore_mem>>)
    %dma_wait3A_10 = arith.constant 0 : i32
    %dma_wait3A_11 = arith.constant 0 : i32
    %dma_wait3A_12 = tpu.memref_slice %arg5[%dma_wait3A_10, %dma_wait3A_11] : memref<6144x1024xf32, #tpu.memory_space<hbm>> -> memref<6144x1024xf32, #tpu.memory_space<hbm>>
    tpu.wait_indirect_dma semaphore(%arg9 : memref<!tpu.dma_semaphore, #tpu.memory_space<semaphore_mem>>) src(%arg8 : memref<64x1024xf32, #tpu.memory_space<vmem>>) dst(%dma_wait3A_12 : memref<6144x1024xf32, #tpu.memory_space<hbm>>)
    return
  }
}

#map = affine_map<(d0, d1) -> (0, 0)>
#map1 = affine_map<(d0, d1) -> (0)>
module attributes {stable_mosaic.version = 14 : i64} {
  func.func @_moe_gather_body(%arg0: i32, %arg1: i32, %arg2: memref<6144x1024xf32, #tpu.memory_space<hbm>>, %arg3: memref<2048xi32, #tpu.memory_space<hbm>>, %arg4: memref<2048xi32, #tpu.memory_space<hbm>>, %arg5: memref<2048x1024xf32, #tpu.memory_space<hbm>>, %arg6: memref<2048x1024xf32, #tpu.memory_space<hbm>>, %arg7: memref<32xi32, #tpu.memory_space<vmem>>, %arg8: memref<32x1024xf32, #tpu.memory_space<vmem>>, %arg9: memref<!tpu.dma_semaphore, #tpu.memory_space<semaphore_mem>>) attributes {dimension_semantics = [#tpu.dimension_semantics<core_parallel>, #tpu.dimension_semantics<subcore_parallel>], iteration_bounds = array<i64: 2, 16>, scalar_prefetch = 0 : i64, scratch_operands = 3 : i64, tpu.core_type = #tpu.core_type<sc_vector_subcore>, window_params = [{transform_indices = #map}, {transform_indices = #map1}, {transform_indices = #map1}, {transform_indices = #map}, {transform_indices = #map}]} {
    %mul3A = arith.constant 2 : i32
    %mul3A_0 = arith.muli %arg1, %mul3A : i32
    %add3A = arith.addi %mul3A_0, %arg0 : i32
    %mul3A_1 = arith.constant 64 : i32
    %mul3A_2 = arith.muli %add3A, %mul3A_1 : i32
    %add3A_3 = arith.constant 0 : i32
    %add3A_4 = arith.addi %mul3A_2, %add3A_3 : i32
    "tpu.region"() ({
      %run_scoped3A = tpu.sem_alloc : memref<!tpu.dma_semaphore, #tpu.memory_space<semaphore_mem>>
      %dma_start3A_31 = tpu.memref_slice %arg3[%add3A_4] : memref<2048xi32, #tpu.memory_space<hbm>> -> memref<32xi32, #tpu.memory_space<hbm>>
      %dma_start3A_32 = tpu.memref_slice %arg3[%add3A_4] : memref<2048xi32, #tpu.memory_space<hbm>> -> memref<32xi32, #tpu.memory_space<hbm>>
      tpu.enqueue_dma source(%dma_start3A_32 : memref<32xi32, #tpu.memory_space<hbm>>) target(%arg7 : memref<32xi32, #tpu.memory_space<vmem>>) target_semaphore(%run_scoped3A : memref<!tpu.dma_semaphore, #tpu.memory_space<semaphore_mem>>)
      %dma_wait3A_33 = tpu.memref_slice %arg3[%add3A_4] : memref<2048xi32, #tpu.memory_space<hbm>> -> memref<32xi32, #tpu.memory_space<hbm>>
      %dma_wait3A_34 = tpu.memref_slice %arg3[%add3A_4] : memref<2048xi32, #tpu.memory_space<hbm>> -> memref<32xi32, #tpu.memory_space<hbm>>
      tpu.wait_dma2 semaphore(%run_scoped3A : memref<!tpu.dma_semaphore, #tpu.memory_space<semaphore_mem>>) src(%dma_wait3A_34 : memref<32xi32, #tpu.memory_space<hbm>>) dst(%arg7 : memref<32xi32, #tpu.memory_space<vmem>>)
      tpu.yield
    }) : () -> ()
    %dma_start3A = arith.constant 0 : i32
    %dma_start3A_5 = arith.constant 0 : i32
    %dma_start3A_6 = tpu.memref_slice %arg2[%dma_start3A, %dma_start3A_5] : memref<6144x1024xf32, #tpu.memory_space<hbm>> -> memref<6144x1024xf32, #tpu.memory_space<hbm>>
    tpu.enqueue_indirect_dma source(%dma_start3A_6 : memref<6144x1024xf32, #tpu.memory_space<hbm>>) target(%arg8 : memref<32x1024xf32, #tpu.memory_space<vmem>>) offsets(%arg7 : memref<32xi32, #tpu.memory_space<vmem>>) semaphore(%arg9 : memref<!tpu.dma_semaphore, #tpu.memory_space<semaphore_mem>>)
    %dma_wait3A = arith.constant 0 : i32
    %dma_wait3A_7 = arith.constant 0 : i32
    %dma_wait3A_8 = tpu.memref_slice %arg2[%dma_wait3A, %dma_wait3A_7] : memref<6144x1024xf32, #tpu.memory_space<hbm>> -> memref<6144x1024xf32, #tpu.memory_space<hbm>>
    tpu.wait_indirect_dma semaphore(%arg9 : memref<!tpu.dma_semaphore, #tpu.memory_space<semaphore_mem>>) src(%dma_wait3A_8 : memref<6144x1024xf32, #tpu.memory_space<hbm>>) dst(%arg8 : memref<32x1024xf32, #tpu.memory_space<vmem>>)
    "tpu.region"() ({
      %run_scoped3A = tpu.sem_alloc : memref<!tpu.dma_semaphore, #tpu.memory_space<semaphore_mem>>
      %dma_start3A_31 = arith.constant 0 : i32
      %dma_start3A_32 = tpu.memref_slice %arg5[%add3A_4, %dma_start3A_31] : memref<2048x1024xf32, #tpu.memory_space<hbm>> -> memref<32x1024xf32, #tpu.memory_space<hbm>>
      %dma_start3A_33 = arith.constant 0 : i32
      %dma_start3A_34 = tpu.memref_slice %arg5[%add3A_4, %dma_start3A_33] : memref<2048x1024xf32, #tpu.memory_space<hbm>> -> memref<32x1024xf32, #tpu.memory_space<hbm>>
      tpu.enqueue_dma source(%arg8 : memref<32x1024xf32, #tpu.memory_space<vmem>>) target(%dma_start3A_34 : memref<32x1024xf32, #tpu.memory_space<hbm>>) target_semaphore(%run_scoped3A : memref<!tpu.dma_semaphore, #tpu.memory_space<semaphore_mem>>)
      %dma_wait3A_35 = arith.constant 0 : i32
      %dma_wait3A_36 = tpu.memref_slice %arg5[%add3A_4, %dma_wait3A_35] : memref<2048x1024xf32, #tpu.memory_space<hbm>> -> memref<32x1024xf32, #tpu.memory_space<hbm>>
      %dma_wait3A_37 = arith.constant 0 : i32
      %dma_wait3A_38 = tpu.memref_slice %arg5[%add3A_4, %dma_wait3A_37] : memref<2048x1024xf32, #tpu.memory_space<hbm>> -> memref<32x1024xf32, #tpu.memory_space<hbm>>
      tpu.wait_dma2 semaphore(%run_scoped3A : memref<!tpu.dma_semaphore, #tpu.memory_space<semaphore_mem>>) src(%arg8 : memref<32x1024xf32, #tpu.memory_space<vmem>>) dst(%dma_wait3A_38 : memref<32x1024xf32, #tpu.memory_space<hbm>>)
      tpu.yield
    }) : () -> ()
    "tpu.region"() ({
      %run_scoped3A = tpu.sem_alloc : memref<!tpu.dma_semaphore, #tpu.memory_space<semaphore_mem>>
      %dma_start3A_31 = tpu.memref_slice %arg4[%add3A_4] : memref<2048xi32, #tpu.memory_space<hbm>> -> memref<32xi32, #tpu.memory_space<hbm>>
      %dma_start3A_32 = tpu.memref_slice %arg4[%add3A_4] : memref<2048xi32, #tpu.memory_space<hbm>> -> memref<32xi32, #tpu.memory_space<hbm>>
      tpu.enqueue_dma source(%dma_start3A_32 : memref<32xi32, #tpu.memory_space<hbm>>) target(%arg7 : memref<32xi32, #tpu.memory_space<vmem>>) target_semaphore(%run_scoped3A : memref<!tpu.dma_semaphore, #tpu.memory_space<semaphore_mem>>)
      %dma_wait3A_33 = tpu.memref_slice %arg4[%add3A_4] : memref<2048xi32, #tpu.memory_space<hbm>> -> memref<32xi32, #tpu.memory_space<hbm>>
      %dma_wait3A_34 = tpu.memref_slice %arg4[%add3A_4] : memref<2048xi32, #tpu.memory_space<hbm>> -> memref<32xi32, #tpu.memory_space<hbm>>
      tpu.wait_dma2 semaphore(%run_scoped3A : memref<!tpu.dma_semaphore, #tpu.memory_space<semaphore_mem>>) src(%dma_wait3A_34 : memref<32xi32, #tpu.memory_space<hbm>>) dst(%arg7 : memref<32xi32, #tpu.memory_space<vmem>>)
      tpu.yield
    }) : () -> ()
    %dma_start3A_9 = arith.constant 0 : i32
    %dma_start3A_10 = arith.constant 0 : i32
    %dma_start3A_11 = tpu.memref_slice %arg2[%dma_start3A_9, %dma_start3A_10] : memref<6144x1024xf32, #tpu.memory_space<hbm>> -> memref<6144x1024xf32, #tpu.memory_space<hbm>>
    tpu.enqueue_indirect_dma source(%dma_start3A_11 : memref<6144x1024xf32, #tpu.memory_space<hbm>>) target(%arg8 : memref<32x1024xf32, #tpu.memory_space<vmem>>) offsets(%arg7 : memref<32xi32, #tpu.memory_space<vmem>>) semaphore(%arg9 : memref<!tpu.dma_semaphore, #tpu.memory_space<semaphore_mem>>)
    %dma_wait3A_12 = arith.constant 0 : i32
    %dma_wait3A_13 = arith.constant 0 : i32
    %dma_wait3A_14 = tpu.memref_slice %arg2[%dma_wait3A_12, %dma_wait3A_13] : memref<6144x1024xf32, #tpu.memory_space<hbm>> -> memref<6144x1024xf32, #tpu.memory_space<hbm>>
    tpu.wait_indirect_dma semaphore(%arg9 : memref<!tpu.dma_semaphore, #tpu.memory_space<semaphore_mem>>) src(%dma_wait3A_14 : memref<6144x1024xf32, #tpu.memory_space<hbm>>) dst(%arg8 : memref<32x1024xf32, #tpu.memory_space<vmem>>)
    "tpu.region"() ({
      %run_scoped3A = tpu.sem_alloc : memref<!tpu.dma_semaphore, #tpu.memory_space<semaphore_mem>>
      %dma_start3A_31 = arith.constant 0 : i32
      %dma_start3A_32 = tpu.memref_slice %arg6[%add3A_4, %dma_start3A_31] : memref<2048x1024xf32, #tpu.memory_space<hbm>> -> memref<32x1024xf32, #tpu.memory_space<hbm>>
      %dma_start3A_33 = arith.constant 0 : i32
      %dma_start3A_34 = tpu.memref_slice %arg6[%add3A_4, %dma_start3A_33] : memref<2048x1024xf32, #tpu.memory_space<hbm>> -> memref<32x1024xf32, #tpu.memory_space<hbm>>
      tpu.enqueue_dma source(%arg8 : memref<32x1024xf32, #tpu.memory_space<vmem>>) target(%dma_start3A_34 : memref<32x1024xf32, #tpu.memory_space<hbm>>) target_semaphore(%run_scoped3A : memref<!tpu.dma_semaphore, #tpu.memory_space<semaphore_mem>>)
      %dma_wait3A_35 = arith.constant 0 : i32
      %dma_wait3A_36 = tpu.memref_slice %arg6[%add3A_4, %dma_wait3A_35] : memref<2048x1024xf32, #tpu.memory_space<hbm>> -> memref<32x1024xf32, #tpu.memory_space<hbm>>
      %dma_wait3A_37 = arith.constant 0 : i32
      %dma_wait3A_38 = tpu.memref_slice %arg6[%add3A_4, %dma_wait3A_37] : memref<2048x1024xf32, #tpu.memory_space<hbm>> -> memref<32x1024xf32, #tpu.memory_space<hbm>>
      tpu.wait_dma2 semaphore(%run_scoped3A : memref<!tpu.dma_semaphore, #tpu.memory_space<semaphore_mem>>) src(%arg8 : memref<32x1024xf32, #tpu.memory_space<vmem>>) dst(%dma_wait3A_38 : memref<32x1024xf32, #tpu.memory_space<hbm>>)
      tpu.yield
    }) : () -> ()
    %mul3A_15 = arith.constant 64 : i32
    %mul3A_16 = arith.muli %add3A, %mul3A_15 : i32
    %add3A_17 = arith.constant 32 : i32
    %add3A_18 = arith.addi %mul3A_16, %add3A_17 : i32
    "tpu.region"() ({
      %run_scoped3A = tpu.sem_alloc : memref<!tpu.dma_semaphore, #tpu.memory_space<semaphore_mem>>
      %dma_start3A_31 = tpu.memref_slice %arg3[%add3A_18] : memref<2048xi32, #tpu.memory_space<hbm>> -> memref<32xi32, #tpu.memory_space<hbm>>
      %dma_start3A_32 = tpu.memref_slice %arg3[%add3A_18] : memref<2048xi32, #tpu.memory_space<hbm>> -> memref<32xi32, #tpu.memory_space<hbm>>
      tpu.enqueue_dma source(%dma_start3A_32 : memref<32xi32, #tpu.memory_space<hbm>>) target(%arg7 : memref<32xi32, #tpu.memory_space<vmem>>) target_semaphore(%run_scoped3A : memref<!tpu.dma_semaphore, #tpu.memory_space<semaphore_mem>>)
      %dma_wait3A_33 = tpu.memref_slice %arg3[%add3A_18] : memref<2048xi32, #tpu.memory_space<hbm>> -> memref<32xi32, #tpu.memory_space<hbm>>
      %dma_wait3A_34 = tpu.memref_slice %arg3[%add3A_18] : memref<2048xi32, #tpu.memory_space<hbm>> -> memref<32xi32, #tpu.memory_space<hbm>>
      tpu.wait_dma2 semaphore(%run_scoped3A : memref<!tpu.dma_semaphore, #tpu.memory_space<semaphore_mem>>) src(%dma_wait3A_34 : memref<32xi32, #tpu.memory_space<hbm>>) dst(%arg7 : memref<32xi32, #tpu.memory_space<vmem>>)
      tpu.yield
    }) : () -> ()
    %dma_start3A_19 = arith.constant 0 : i32
    %dma_start3A_20 = arith.constant 0 : i32
    %dma_start3A_21 = tpu.memref_slice %arg2[%dma_start3A_19, %dma_start3A_20] : memref<6144x1024xf32, #tpu.memory_space<hbm>> -> memref<6144x1024xf32, #tpu.memory_space<hbm>>
    tpu.enqueue_indirect_dma source(%dma_start3A_21 : memref<6144x1024xf32, #tpu.memory_space<hbm>>) target(%arg8 : memref<32x1024xf32, #tpu.memory_space<vmem>>) offsets(%arg7 : memref<32xi32, #tpu.memory_space<vmem>>) semaphore(%arg9 : memref<!tpu.dma_semaphore, #tpu.memory_space<semaphore_mem>>)
    %dma_wait3A_22 = arith.constant 0 : i32
    %dma_wait3A_23 = arith.constant 0 : i32
    %dma_wait3A_24 = tpu.memref_slice %arg2[%dma_wait3A_22, %dma_wait3A_23] : memref<6144x1024xf32, #tpu.memory_space<hbm>> -> memref<6144x1024xf32, #tpu.memory_space<hbm>>
    tpu.wait_indirect_dma semaphore(%arg9 : memref<!tpu.dma_semaphore, #tpu.memory_space<semaphore_mem>>) src(%dma_wait3A_24 : memref<6144x1024xf32, #tpu.memory_space<hbm>>) dst(%arg8 : memref<32x1024xf32, #tpu.memory_space<vmem>>)
    "tpu.region"() ({
      %run_scoped3A = tpu.sem_alloc : memref<!tpu.dma_semaphore, #tpu.memory_space<semaphore_mem>>
      %dma_start3A_31 = arith.constant 0 : i32
      %dma_start3A_32 = tpu.memref_slice %arg5[%add3A_18, %dma_start3A_31] : memref<2048x1024xf32, #tpu.memory_space<hbm>> -> memref<32x1024xf32, #tpu.memory_space<hbm>>
      %dma_start3A_33 = arith.constant 0 : i32
      %dma_start3A_34 = tpu.memref_slice %arg5[%add3A_18, %dma_start3A_33] : memref<2048x1024xf32, #tpu.memory_space<hbm>> -> memref<32x1024xf32, #tpu.memory_space<hbm>>
      tpu.enqueue_dma source(%arg8 : memref<32x1024xf32, #tpu.memory_space<vmem>>) target(%dma_start3A_34 : memref<32x1024xf32, #tpu.memory_space<hbm>>) target_semaphore(%run_scoped3A : memref<!tpu.dma_semaphore, #tpu.memory_space<semaphore_mem>>)
      %dma_wait3A_35 = arith.constant 0 : i32
      %dma_wait3A_36 = tpu.memref_slice %arg5[%add3A_18, %dma_wait3A_35] : memref<2048x1024xf32, #tpu.memory_space<hbm>> -> memref<32x1024xf32, #tpu.memory_space<hbm>>
      %dma_wait3A_37 = arith.constant 0 : i32
      %dma_wait3A_38 = tpu.memref_slice %arg5[%add3A_18, %dma_wait3A_37] : memref<2048x1024xf32, #tpu.memory_space<hbm>> -> memref<32x1024xf32, #tpu.memory_space<hbm>>
      tpu.wait_dma2 semaphore(%run_scoped3A : memref<!tpu.dma_semaphore, #tpu.memory_space<semaphore_mem>>) src(%arg8 : memref<32x1024xf32, #tpu.memory_space<vmem>>) dst(%dma_wait3A_38 : memref<32x1024xf32, #tpu.memory_space<hbm>>)
      tpu.yield
    }) : () -> ()
    "tpu.region"() ({
      %run_scoped3A = tpu.sem_alloc : memref<!tpu.dma_semaphore, #tpu.memory_space<semaphore_mem>>
      %dma_start3A_31 = tpu.memref_slice %arg4[%add3A_18] : memref<2048xi32, #tpu.memory_space<hbm>> -> memref<32xi32, #tpu.memory_space<hbm>>
      %dma_start3A_32 = tpu.memref_slice %arg4[%add3A_18] : memref<2048xi32, #tpu.memory_space<hbm>> -> memref<32xi32, #tpu.memory_space<hbm>>
      tpu.enqueue_dma source(%dma_start3A_32 : memref<32xi32, #tpu.memory_space<hbm>>) target(%arg7 : memref<32xi32, #tpu.memory_space<vmem>>) target_semaphore(%run_scoped3A : memref<!tpu.dma_semaphore, #tpu.memory_space<semaphore_mem>>)
      %dma_wait3A_33 = tpu.memref_slice %arg4[%add3A_18] : memref<2048xi32, #tpu.memory_space<hbm>> -> memref<32xi32, #tpu.memory_space<hbm>>
      %dma_wait3A_34 = tpu.memref_slice %arg4[%add3A_18] : memref<2048xi32, #tpu.memory_space<hbm>> -> memref<32xi32, #tpu.memory_space<hbm>>
      tpu.wait_dma2 semaphore(%run_scoped3A : memref<!tpu.dma_semaphore, #tpu.memory_space<semaphore_mem>>) src(%dma_wait3A_34 : memref<32xi32, #tpu.memory_space<hbm>>) dst(%arg7 : memref<32xi32, #tpu.memory_space<vmem>>)
      tpu.yield
    }) : () -> ()
    %dma_start3A_25 = arith.constant 0 : i32
    %dma_start3A_26 = arith.constant 0 : i32
    %dma_start3A_27 = tpu.memref_slice %arg2[%dma_start3A_25, %dma_start3A_26] : memref<6144x1024xf32, #tpu.memory_space<hbm>> -> memref<6144x1024xf32, #tpu.memory_space<hbm>>
    tpu.enqueue_indirect_dma source(%dma_start3A_27 : memref<6144x1024xf32, #tpu.memory_space<hbm>>) target(%arg8 : memref<32x1024xf32, #tpu.memory_space<vmem>>) offsets(%arg7 : memref<32xi32, #tpu.memory_space<vmem>>) semaphore(%arg9 : memref<!tpu.dma_semaphore, #tpu.memory_space<semaphore_mem>>)
    %dma_wait3A_28 = arith.constant 0 : i32
    %dma_wait3A_29 = arith.constant 0 : i32
    %dma_wait3A_30 = tpu.memref_slice %arg2[%dma_wait3A_28, %dma_wait3A_29] : memref<6144x1024xf32, #tpu.memory_space<hbm>> -> memref<6144x1024xf32, #tpu.memory_space<hbm>>
    tpu.wait_indirect_dma semaphore(%arg9 : memref<!tpu.dma_semaphore, #tpu.memory_space<semaphore_mem>>) src(%dma_wait3A_30 : memref<6144x1024xf32, #tpu.memory_space<hbm>>) dst(%arg8 : memref<32x1024xf32, #tpu.memory_space<vmem>>)
    "tpu.region"() ({
      %run_scoped3A = tpu.sem_alloc : memref<!tpu.dma_semaphore, #tpu.memory_space<semaphore_mem>>
      %dma_start3A_31 = arith.constant 0 : i32
      %dma_start3A_32 = tpu.memref_slice %arg6[%add3A_18, %dma_start3A_31] : memref<2048x1024xf32, #tpu.memory_space<hbm>> -> memref<32x1024xf32, #tpu.memory_space<hbm>>
      %dma_start3A_33 = arith.constant 0 : i32
      %dma_start3A_34 = tpu.memref_slice %arg6[%add3A_18, %dma_start3A_33] : memref<2048x1024xf32, #tpu.memory_space<hbm>> -> memref<32x1024xf32, #tpu.memory_space<hbm>>
      tpu.enqueue_dma source(%arg8 : memref<32x1024xf32, #tpu.memory_space<vmem>>) target(%dma_start3A_34 : memref<32x1024xf32, #tpu.memory_space<hbm>>) target_semaphore(%run_scoped3A : memref<!tpu.dma_semaphore, #tpu.memory_space<semaphore_mem>>)
      %dma_wait3A_35 = arith.constant 0 : i32
      %dma_wait3A_36 = tpu.memref_slice %arg6[%add3A_18, %dma_wait3A_35] : memref<2048x1024xf32, #tpu.memory_space<hbm>> -> memref<32x1024xf32, #tpu.memory_space<hbm>>
      %dma_wait3A_37 = arith.constant 0 : i32
      %dma_wait3A_38 = tpu.memref_slice %arg6[%add3A_18, %dma_wait3A_37] : memref<2048x1024xf32, #tpu.memory_space<hbm>> -> memref<32x1024xf32, #tpu.memory_space<hbm>>
      tpu.wait_dma2 semaphore(%run_scoped3A : memref<!tpu.dma_semaphore, #tpu.memory_space<semaphore_mem>>) src(%arg8 : memref<32x1024xf32, #tpu.memory_space<vmem>>) dst(%dma_wait3A_38 : memref<32x1024xf32, #tpu.memory_space<hbm>>)
      tpu.yield
    }) : () -> ()
    return
  }
}

module {
  func.func @main(%arg0: i32, %arg1: i32, %arg2: i32, %arg3: memref<1x1024x1024xf32, #tpu.memory_space<vmem>>, %arg4: memref<1x1024x64xf32, #tpu.memory_space<vmem>>, %arg5: memref<1x1024x64xf32, #tpu.memory_space<vmem>>, %arg6: memref<1x1024x1xf32, #tpu.memory_space<vmem>>, %arg7: memref<1x1024x1xf32, #tpu.memory_space<vmem>>) attributes {dimension_semantics = [#tpu.dimension_semantics<parallel>, #tpu.dimension_semantics<parallel>, #tpu.dimension_semantics<arbitrary>], iteration_bounds = array<i64: 16, 2, 2>, scratch_operands = 2 : i64, window_params = [{transform_indices = @qk_fn, window_bounds = array<i64: 1, 1024, 1024>}, {transform_indices = @v_fn, window_bounds = array<i64: 1, 1024, 64>}, {transform_indices = @oi_fn, window_bounds = array<i64: 1, 1024, 64>}]} {
    %c0 = arith.constant 0 : index
    %c0_i32 = arith.constant 0 : i32
    %0 = arith.cmpi eq, %c0_i32, %arg2 : i32
    scf.if %0 {
      %cst_3 = arith.constant dense<0.000000e+00> : vector<1x1024x64xf32>
      vector.store %cst_3, %arg5[%c0, %c0, %c0] : memref<1x1024x64xf32, #tpu.memory_space<vmem>>, vector<1x1024x64xf32>
      %cst_4 = arith.constant dense<0xFF800000> : vector<1x1024x1xf32>
      vector.store %cst_4, %arg6[%c0, %c0, %c0] : memref<1x1024x1xf32, #tpu.memory_space<vmem>>, vector<1x1024x1xf32>
      %cst_5 = arith.constant dense<0.000000e+00> : vector<1x1024x1xf32>
      vector.store %cst_5, %arg7[%c0, %c0, %c0] : memref<1x1024x1xf32, #tpu.memory_space<vmem>>, vector<1x1024x1xf32>
    }
    %1 = vector.load %arg3[%c0, %c0, %c0] : memref<1x1024x1024xf32, #tpu.memory_space<vmem>>, vector<1x1024x1024xf32>
    %cst = arith.constant dense<0xFF800000> : vector<1x1024xf32>
    %2 = vector.multi_reduction <maximumf>, %1, %cst [2] : vector<1x1024x1024xf32> to vector<1x1024xf32>
    %3 = vector.shape_cast %2 : vector<1x1024xf32> to vector<1x1024x1xf32>
    %4 = vector.load %arg6[%c0, %c0, %c0] : memref<1x1024x1xf32, #tpu.memory_space<vmem>>, vector<1x1024x1xf32>
    %5 = arith.maximumf %4, %3 : vector<1x1024x1xf32>
    %cst_0 = arith.constant dense<0.000000e+00> : vector<1x1024x1xf32>
    %6 = arith.cmpf oeq, %4, %5 : vector<1x1024x1xf32>
    %7 = arith.subf %4, %5 : vector<1x1024x1xf32>
    %8 = arith.select %6, %cst_0, %7 : vector<1x1024x1xi1>, vector<1x1024x1xf32>
    %9 = vector.broadcast %5 : vector<1x1024x1xf32> to vector<1x1024x1024xf32>
    %10 = arith.subf %1, %9 : vector<1x1024x1024xf32>
    %11 = math.exp %10 : vector<1x1024x1024xf32>
    %cst_1 = arith.constant dense<0.000000e+00> : vector<1x1024xf32>
    %12 = vector.multi_reduction <add>, %11, %cst_1 [2] : vector<1x1024x1024xf32> to vector<1x1024xf32>
    %13 = vector.shape_cast %12 : vector<1x1024xf32> to vector<1x1024x1xf32>
    %14 = vector.load %arg7[%c0, %c0, %c0] : memref<1x1024x1xf32, #tpu.memory_space<vmem>>, vector<1x1024x1xf32>
    %15 = math.exp %8 : vector<1x1024x1xf32>
    %16 = arith.mulf %15, %14 : vector<1x1024x1xf32>
    %17 = arith.addf %16, %13 : vector<1x1024x1xf32>
    %18 = vector.load %arg5[%c0, %c0, %c0] : memref<1x1024x64xf32, #tpu.memory_space<vmem>>, vector<1x1024x64xf32>
    %19 = math.exp %8 : vector<1x1024x1xf32>
    %20 = arith.mulf %19, %14 : vector<1x1024x1xf32>
    %21 = vector.broadcast %20 : vector<1x1024x1xf32> to vector<1x1024x64xf32>
    %22 = arith.mulf %21, %18 : vector<1x1024x64xf32>
    %23 = vector.load %arg4[%c0, %c0, %c0] : memref<1x1024x64xf32, #tpu.memory_space<vmem>>, vector<1x1024x64xf32>
    %24 = vector.shape_cast %23 : vector<1x1024x64xf32> to vector<1024x64xf32>
    %25 = vector.shape_cast %11 : vector<1x1024x1024xf32> to vector<1024x1024xf32>
    %26 = vector.shape_cast %22 : vector<1x1024x64xf32> to vector<1024x64xf32>
    %27 = tpu.matmul %25, %24, %26 {dimension_numbers = #tpu.dot_dimension_numbers<[1], [0], [0], [1], [0, 0, 1, 1], [], []>, precision = #tpu.contract_precision<bf16>, transpose_lhs_hint = false} : vector<1024x1024xf32>, vector<1024x64xf32>, vector<1024x64xf32> -> vector<1024x64xf32>
    %28 = vector.shape_cast %27 : vector<1024x64xf32> to vector<1x1024x64xf32>
    %cst_2 = arith.constant dense<1.000000e+00> : vector<1x1024x1xf32>
    %29 = arith.divf %cst_2, %17 : vector<1x1024x1xf32>
    %30 = vector.broadcast %29 : vector<1x1024x1xf32> to vector<1x1024x64xf32>
    %31 = arith.mulf %28, %30 : vector<1x1024x64xf32>
    %32 = vector.shape_cast %31 : vector<1x1024x64xf32> to vector<1x1024x64xf32>
    vector.store %32, %arg5[%c0, %c0, %c0] : memref<1x1024x64xf32, #tpu.memory_space<vmem>>, vector<1x1024x64xf32>
    vector.store %5, %arg6[%c0, %c0, %c0] : memref<1x1024x1xf32, #tpu.memory_space<vmem>>, vector<1x1024x1xf32>
    vector.store %17, %arg7[%c0, %c0, %c0] : memref<1x1024x1xf32, #tpu.memory_space<vmem>>, vector<1x1024x1xf32>
    return
  }
  func.func @qk_fn(%arg0: i32, %arg1: i32, %arg2: i32) -> (i32, i32, i32) {
    return %arg0, %arg1, %arg2 : i32, i32, i32
  }
  func.func @v_fn(%arg0: i32, %arg1: i32, %arg2: i32) -> (i32, i32, i32) {
    %c0_i32 = arith.constant 0 : i32
    return %arg0, %arg2, %c0_i32 : i32, i32, i32
  }
  func.func @oi_fn(%arg0: i32, %arg1: i32, %arg2: i32) -> (i32, i32, i32) {
    %c0_i32 = arith.constant 0 : i32
    return %arg0, %arg1, %c0_i32 : i32, i32, i32
  }
}

module attributes {stable_mosaic.version = 14 : i64} {
  func.func @_route_kernel(%arg0: i32, %arg1: memref<2048x128xf32, #tpu.memory_space<vmem>>, %arg2: memref<2048x128xi32, #tpu.memory_space<vmem>>, %arg3: memref<2048x128xf32, #tpu.memory_space<vmem>>, %arg4: memref<2048x128xf32, #tpu.memory_space<vmem>>, %arg5: memref<128x1xi32, #tpu.memory_space<vmem>>, %arg6: memref<1x1xi32, #tpu.memory_space<vmem>>) attributes {dimension_semantics = [#tpu.dimension_semantics<arbitrary>], iteration_bounds = array<i64: 1>, scalar_prefetch = 0 : i64, scratch_operands = 0 : i64, tpu.core_type = #tpu.core_type<tc>, window_params = [{pipeline_mode = #tpu.pipeline_mode<synchronous>, transform_indices = @transform_0, window_bounds = array<i64: 2048, 128>}, {pipeline_mode = #tpu.pipeline_mode<synchronous>, transform_indices = @transform_1, window_bounds = array<i64: 2048, 128>}, {pipeline_mode = #tpu.pipeline_mode<synchronous>, transform_indices = @transform_2, window_bounds = array<i64: 2048, 128>}, {pipeline_mode = #tpu.pipeline_mode<synchronous>, transform_indices = @transform_3, window_bounds = array<i64: 2048, 128>}, {pipeline_mode = #tpu.pipeline_mode<synchronous>, transform_indices = @transform_4, window_bounds = array<i64: 128, 1>}, {pipeline_mode = #tpu.pipeline_mode<synchronous>, transform_indices = @transform_5, window_bounds = array<i64: 1, 1>}]} {
    %get3A = arith.constant 0 : index
    %get3A_0 = arith.constant 0 : index
    %get3A_1 = vector.load %arg1[%get3A, %get3A_0] : memref<2048x128xf32, #tpu.memory_space<vmem>>, vector<2048x128xf32>
    %iota3A = tpu.iota {dimensions = array<i32: 1>} : vector<2048x128xi32>
    %convert_element_type3A = arith.sitofp %iota3A : vector<2048x128xi32> to vector<2048x128xf32>
    %reduce_max3A = arith.constant dense<0xFF800000> : vector<2048xf32>
    %reduce_max3A_2 = vector.multi_reduction <maximumf>, %get3A_1, %reduce_max3A [1] : vector<2048x128xf32> to vector<2048xf32>
    %broadcast_in_dim3A = vector.shape_cast %reduce_max3A_2 : vector<2048xf32> to vector<2048x1xf32>
    %eq3A = vector.broadcast %broadcast_in_dim3A : vector<2048x1xf32> to vector<2048x128xf32>
    %eq3A_3 = arith.cmpf oeq, %get3A_1, %eq3A : vector<2048x128xf32>
    %jit3A = arith.constant 999 : i32
    %broadcast_in_dim3A_4 = vector.broadcast %jit3A : i32 to vector<2048x128xi32>
    %select_n3A = arith.select %eq3A_3, %iota3A, %broadcast_in_dim3A_4 : vector<2048x128xi1>, vector<2048x128xi32>
    %reduce_min3A = arith.constant dense<2147483647> : vector<2048xi32>
    %reduce_min3A_5 = vector.multi_reduction <minsi>, %select_n3A, %reduce_min3A [1] : vector<2048x128xi32> to vector<2048xi32>
    %broadcast_in_dim3A_6 = vector.shape_cast %reduce_min3A_5 : vector<2048xi32> to vector<2048x1xi32>
    %eq3A_7 = vector.broadcast %broadcast_in_dim3A_6 : vector<2048x1xi32> to vector<2048x128xi32>
    %eq3A_8 = arith.cmpi eq, %iota3A, %eq3A_7 : vector<2048x128xi32>
    %jit3A_9 = arith.constant 0xFF800000 : f32
    %broadcast_in_dim3A_10 = vector.broadcast %jit3A_9 : f32 to vector<2048x128xf32>
    %select_n3A_11 = arith.select %eq3A_8, %broadcast_in_dim3A_10, %get3A_1 : vector<2048x128xi1>, vector<2048x128xf32>
    %reduce_max3A_12 = arith.constant dense<0xFF800000> : vector<2048xf32>
    %reduce_max3A_13 = vector.multi_reduction <maximumf>, %select_n3A_11, %reduce_max3A_12 [1] : vector<2048x128xf32> to vector<2048xf32>
    %broadcast_in_dim3A_14 = vector.shape_cast %reduce_max3A_13 : vector<2048xf32> to vector<2048x1xf32>
    %eq3A_15 = vector.broadcast %broadcast_in_dim3A_14 : vector<2048x1xf32> to vector<2048x128xf32>
    %eq3A_16 = arith.cmpf oeq, %select_n3A_11, %eq3A_15 : vector<2048x128xf32>
    %jit3A_17 = arith.constant 999 : i32
    %broadcast_in_dim3A_18 = vector.broadcast %jit3A_17 : i32 to vector<2048x128xi32>
    %select_n3A_19 = arith.select %eq3A_16, %iota3A, %broadcast_in_dim3A_18 : vector<2048x128xi1>, vector<2048x128xi32>
    %reduce_min3A_20 = arith.constant dense<2147483647> : vector<2048xi32>
    %reduce_min3A_21 = vector.multi_reduction <minsi>, %select_n3A_19, %reduce_min3A_20 [1] : vector<2048x128xi32> to vector<2048xi32>
    %broadcast_in_dim3A_22 = vector.shape_cast %reduce_min3A_21 : vector<2048xi32> to vector<2048x1xi32>
    %sub3A = arith.subf %broadcast_in_dim3A_14, %broadcast_in_dim3A : vector<2048x1xf32>
    %exp3A = math.exp %sub3A : vector<2048x1xf32>
    %add3A = arith.constant 1.000000e+00 : f32
    %add3A_23 = vector.broadcast %add3A : f32 to vector<2048x1xf32>
    %add3A_24 = arith.addf %add3A_23, %exp3A : vector<2048x1xf32>
    %div3A = arith.constant 1.000000e+00 : f32
    %div3A_25 = vector.broadcast %div3A : f32 to vector<2048x1xf32>
    %div3A_26 = arith.divf %div3A_25, %add3A_24 : vector<2048x1xf32>
    %add3A_27 = arith.constant 1.000000e+00 : f32
    %add3A_28 = vector.broadcast %add3A_27 : f32 to vector<2048x1xf32>
    %add3A_29 = arith.addf %add3A_28, %exp3A : vector<2048x1xf32>
    %div3A_30 = arith.divf %exp3A, %add3A_29 : vector<2048x1xf32>
    %convert_element_type3A_31 = arith.sitofp %broadcast_in_dim3A_6 : vector<2048x1xi32> to vector<2048x1xf32>
    %convert_element_type3A_32 = arith.sitofp %broadcast_in_dim3A_22 : vector<2048x1xi32> to vector<2048x1xf32>
    %eq3A_33 = vector.broadcast %convert_element_type3A_31 : vector<2048x1xf32> to vector<2048x128xf32>
    %eq3A_34 = arith.cmpf oeq, %convert_element_type3A, %eq3A_33 : vector<2048x128xf32>
    %jit3A_35 = arith.constant 1.000000e+00 : f32
    %jit3A_36 = arith.constant 0.000000e+00 : f32
    %broadcast_in_dim3A_37 = vector.broadcast %jit3A_35 : f32 to vector<2048x128xf32>
    %broadcast_in_dim3A_38 = vector.broadcast %jit3A_36 : f32 to vector<2048x128xf32>
    %select_n3A_39 = arith.select %eq3A_34, %broadcast_in_dim3A_37, %broadcast_in_dim3A_38 : vector<2048x128xi1>, vector<2048x128xf32>
    %add3A_40 = arith.constant 8.000000e+00 : f32
    %add3A_41 = vector.broadcast %add3A_40 : f32 to vector<2048x1xf32>
    %add3A_42 = arith.addf %convert_element_type3A_32, %add3A_41 : vector<2048x1xf32>
    %eq3A_43 = vector.broadcast %add3A_42 : vector<2048x1xf32> to vector<2048x128xf32>
    %eq3A_44 = arith.cmpf oeq, %convert_element_type3A, %eq3A_43 : vector<2048x128xf32>
    %jit3A_45 = arith.constant 1.000000e+00 : f32
    %jit3A_46 = arith.constant 0.000000e+00 : f32
    %broadcast_in_dim3A_47 = vector.broadcast %jit3A_45 : f32 to vector<2048x128xf32>
    %broadcast_in_dim3A_48 = vector.broadcast %jit3A_46 : f32 to vector<2048x128xf32>
    %select_n3A_49 = arith.select %eq3A_44, %broadcast_in_dim3A_47, %broadcast_in_dim3A_48 : vector<2048x128xi1>, vector<2048x128xf32>
    %add3A_50 = arith.addf %select_n3A_39, %select_n3A_49 : vector<2048x128xf32>
    %iota3A_51 = tpu.iota {dimensions = array<i32: 0>} : vector<2048x2048xi32>
    %iota3A_52 = tpu.iota {dimensions = array<i32: 1>} : vector<2048x2048xi32>
    %le3A = arith.cmpi sle, %iota3A_52, %iota3A_51 : vector<2048x2048xi32>
    %jit3A_53 = arith.constant 1.000000e+00 : f32
    %jit3A_54 = arith.constant 0.000000e+00 : f32
    %broadcast_in_dim3A_55 = vector.broadcast %jit3A_53 : f32 to vector<2048x2048xf32>
    %broadcast_in_dim3A_56 = vector.broadcast %jit3A_54 : f32 to vector<2048x2048xf32>
    %select_n3A_57 = arith.select %le3A, %broadcast_in_dim3A_55, %broadcast_in_dim3A_56 : vector<2048x2048xi1>, vector<2048x2048xf32>
    %convert_element_type3A_58 = arith.truncf %select_n3A_57 : vector<2048x2048xf32> to vector<2048x2048xbf16>
    %convert_element_type3A_59 = arith.truncf %add3A_50 : vector<2048x128xf32> to vector<2048x128xbf16>
    %dot_general3A = arith.constant dense<0.000000e+00> : vector<2048x128xf32>
    %dot_general3A_60 = tpu.matmul %convert_element_type3A_58, %convert_element_type3A_59, %dot_general3A {dimension_numbers = #tpu.dot_dimension_numbers<[1], [0], [0], [1], [0, 0, 1, 1], [], []>, transpose_lhs_hint = false} : vector<2048x2048xbf16>, vector<2048x128xbf16>, vector<2048x128xf32> -> vector<2048x128xf32>
    %slice3A = vector.extract_strided_slice %dot_general3A_60 {offsets = [2047, 0], sizes = [1, 128], strides = [1, 1]} : vector<2048x128xf32> to vector<1x128xf32>
    %iota3A_61 = tpu.iota {dimensions = array<i32: 1>} : vector<1x128xi32>
    %convert_element_type3A_62 = arith.sitofp %iota3A_61 : vector<1x128xi32> to vector<1x128xf32>
    %lt3A = arith.constant 8.000000e+00 : f32
    %lt3A_63 = vector.broadcast %lt3A : f32 to vector<1x128xf32>
    %lt3A_64 = arith.cmpf olt, %convert_element_type3A_62, %lt3A_63 : vector<1x128xf32>
    %jit3A_65 = arith.constant 0.000000e+00 : f32
    %broadcast_in_dim3A_66 = vector.broadcast %jit3A_65 : f32 to vector<1x128xf32>
    %select_n3A_67 = arith.select %lt3A_64, %slice3A, %broadcast_in_dim3A_66 : vector<1x128xi1>, vector<1x128xf32>
    %slice3A_68 = vector.extract_strided_slice %slice3A {offsets = [0, 8], sizes = [1, 120], strides = [1, 1]} : vector<1x128xf32> to vector<1x120xf32>
    %broadcast_in_dim3A_69 = arith.constant 0.000000e+00 : f32
    %broadcast_in_dim3A_70 = vector.broadcast %broadcast_in_dim3A_69 : f32 to vector<1x8xf32>
    %concatenate3A = tpu.concatenate %slice3A_68, %broadcast_in_dim3A_70 in 1 : vector<1x120xf32>, vector<1x8xf32> -> vector<1x128xf32>
    %add3A_71 = arith.addf %select_n3A_67, %concatenate3A : vector<1x128xf32>
    %lt3A_72 = arith.constant 8.000000e+00 : f32
    %lt3A_73 = vector.broadcast %lt3A_72 : f32 to vector<1x128xf32>
    %lt3A_74 = arith.cmpf olt, %convert_element_type3A_62, %lt3A_73 : vector<1x128xf32>
    %jit3A_75 = arith.constant 0.000000e+00 : f32
    %broadcast_in_dim3A_76 = vector.broadcast %jit3A_75 : f32 to vector<1x128xf32>
    %select_n3A_77 = arith.select %lt3A_74, %add3A_71, %broadcast_in_dim3A_76 : vector<1x128xi1>, vector<1x128xf32>
    %add3A_78 = arith.constant 2.550000e+02 : f32
    %add3A_79 = vector.broadcast %add3A_78 : f32 to vector<1x128xf32>
    %add3A_80 = arith.addf %select_n3A_77, %add3A_79 : vector<1x128xf32>
    %mul3A = arith.constant 3.906250e-03 : f32
    %mul3A_81 = vector.broadcast %mul3A : f32 to vector<1x128xf32>
    %mul3A_82 = arith.mulf %add3A_80, %mul3A_81 : vector<1x128xf32>
    %floor3A = math.floor %mul3A_82 : vector<1x128xf32>
    %mul3A_83 = arith.constant 2.560000e+02 : f32
    %mul3A_84 = vector.broadcast %mul3A_83 : f32 to vector<1x128xf32>
    %mul3A_85 = arith.mulf %floor3A, %mul3A_84 : vector<1x128xf32>
    %broadcast_in_dim3A_86 = arith.constant 0.000000e+00 : f32
    %broadcast_in_dim3A_87 = vector.broadcast %broadcast_in_dim3A_86 : f32 to vector<1x1xf32>
    %slice3A_88 = vector.extract_strided_slice %mul3A_85 {offsets = [0, 0], sizes = [1, 127], strides = [1, 1]} : vector<1x128xf32> to vector<1x127xf32>
    %concatenate3A_89 = tpu.concatenate %broadcast_in_dim3A_87, %slice3A_88 in 1 : vector<1x1xf32>, vector<1x127xf32> -> vector<1x128xf32>
    %add3A_90 = arith.addf %mul3A_85, %concatenate3A_89 : vector<1x128xf32>
    %broadcast_in_dim3A_91 = arith.constant 0.000000e+00 : f32
    %broadcast_in_dim3A_92 = vector.broadcast %broadcast_in_dim3A_91 : f32 to vector<1x2xf32>
    %slice3A_93 = vector.extract_strided_slice %add3A_90 {offsets = [0, 0], sizes = [1, 126], strides = [1, 1]} : vector<1x128xf32> to vector<1x126xf32>
    %concatenate3A_94 = tpu.concatenate %broadcast_in_dim3A_92, %slice3A_93 in 1 : vector<1x2xf32>, vector<1x126xf32> -> vector<1x128xf32>
    %add3A_95 = arith.addf %add3A_90, %concatenate3A_94 : vector<1x128xf32>
    %broadcast_in_dim3A_96 = arith.constant 0.000000e+00 : f32
    %broadcast_in_dim3A_97 = vector.broadcast %broadcast_in_dim3A_96 : f32 to vector<1x4xf32>
    %slice3A_98 = vector.extract_strided_slice %add3A_95 {offsets = [0, 0], sizes = [1, 124], strides = [1, 1]} : vector<1x128xf32> to vector<1x124xf32>
    %concatenate3A_99 = tpu.concatenate %broadcast_in_dim3A_97, %slice3A_98 in 1 : vector<1x4xf32>, vector<1x124xf32> -> vector<1x128xf32>
    %add3A_100 = arith.addf %add3A_95, %concatenate3A_99 : vector<1x128xf32>
    %sub3A_101 = arith.subf %add3A_100, %mul3A_85 : vector<1x128xf32>
    %lt3A_102 = arith.constant 8.000000e+00 : f32
    %lt3A_103 = vector.broadcast %lt3A_102 : f32 to vector<1x128xf32>
    %lt3A_104 = arith.cmpf olt, %convert_element_type3A_62, %lt3A_103 : vector<1x128xf32>
    %jit3A_105 = arith.constant 0.000000e+00 : f32
    %broadcast_in_dim3A_106 = vector.broadcast %jit3A_105 : f32 to vector<1x128xf32>
    %select_n3A_107 = arith.select %lt3A_104, %sub3A_101, %broadcast_in_dim3A_106 : vector<1x128xi1>, vector<1x128xf32>
    %ge3A = arith.constant 8.000000e+00 : f32
    %ge3A_108 = vector.broadcast %ge3A : f32 to vector<1x128xf32>
    %ge3A_109 = arith.cmpf oge, %convert_element_type3A_62, %ge3A_108 : vector<1x128xf32>
    %lt3A_110 = arith.constant 1.600000e+01 : f32
    %lt3A_111 = vector.broadcast %lt3A_110 : f32 to vector<1x128xf32>
    %lt3A_112 = arith.cmpf olt, %convert_element_type3A_62, %lt3A_111 : vector<1x128xf32>
    %and3A = arith.andi %ge3A_109, %lt3A_112 : vector<1x128xi1>
    %add3A_113 = arith.addf %sub3A_101, %select_n3A_67 : vector<1x128xf32>
    %broadcast_in_dim3A_114 = arith.constant 0.000000e+00 : f32
    %broadcast_in_dim3A_115 = vector.broadcast %broadcast_in_dim3A_114 : f32 to vector<1x8xf32>
    %slice3A_116 = vector.extract_strided_slice %add3A_113 {offsets = [0, 0], sizes = [1, 120], strides = [1, 1]} : vector<1x128xf32> to vector<1x120xf32>
    %concatenate3A_117 = tpu.concatenate %broadcast_in_dim3A_115, %slice3A_116 in 1 : vector<1x8xf32>, vector<1x120xf32> -> vector<1x128xf32>
    %jit3A_118 = arith.constant 0.000000e+00 : f32
    %broadcast_in_dim3A_119 = vector.broadcast %jit3A_118 : f32 to vector<1x128xf32>
    %select_n3A_120 = arith.select %and3A, %concatenate3A_117, %broadcast_in_dim3A_119 : vector<1x128xi1>, vector<1x128xf32>
    %add3A_121 = arith.addf %select_n3A_107, %select_n3A_120 : vector<1x128xf32>
    %add3A_122 = vector.broadcast %add3A_121 : vector<1x128xf32> to vector<2048x128xf32>
    %add3A_123 = arith.addf %add3A_122, %dot_general3A_60 : vector<2048x128xf32>
    %sub3A_124 = arith.constant 1.000000e+00 : f32
    %sub3A_125 = vector.broadcast %sub3A_124 : f32 to vector<2048x128xf32>
    %sub3A_126 = arith.subf %add3A_123, %sub3A_125 : vector<2048x128xf32>
    %mul3A_127 = arith.mulf %add3A_50, %sub3A_126 : vector<2048x128xf32>
    %lt3A_128 = arith.constant 8.000000e+00 : f32
    %lt3A_129 = vector.broadcast %lt3A_128 : f32 to vector<2048x128xf32>
    %lt3A_130 = arith.cmpf olt, %convert_element_type3A, %lt3A_129 : vector<2048x128xf32>
    %jit3A_131 = arith.constant 0.000000e+00 : f32
    %broadcast_in_dim3A_132 = vector.broadcast %jit3A_131 : f32 to vector<2048x128xf32>
    %select_n3A_133 = arith.select %lt3A_130, %mul3A_127, %broadcast_in_dim3A_132 : vector<2048x128xi1>, vector<2048x128xf32>
    %reduce_sum3A = arith.constant dense<0.000000e+00> : vector<2048xf32>
    %reduce_sum3A_134 = vector.multi_reduction <add>, %select_n3A_133, %reduce_sum3A [1] : vector<2048x128xf32> to vector<2048xf32>
    %broadcast_in_dim3A_135 = vector.shape_cast %reduce_sum3A_134 : vector<2048xf32> to vector<2048x1xf32>
    %ge3A_136 = arith.constant 8.000000e+00 : f32
    %ge3A_137 = vector.broadcast %ge3A_136 : f32 to vector<2048x128xf32>
    %ge3A_138 = arith.cmpf oge, %convert_element_type3A, %ge3A_137 : vector<2048x128xf32>
    %jit3A_139 = arith.constant 0.000000e+00 : f32
    %broadcast_in_dim3A_140 = vector.broadcast %jit3A_139 : f32 to vector<2048x128xf32>
    %select_n3A_141 = arith.select %ge3A_138, %mul3A_127, %broadcast_in_dim3A_140 : vector<2048x128xi1>, vector<2048x128xf32>
    %reduce_sum3A_142 = arith.constant dense<0.000000e+00> : vector<2048xf32>
    %reduce_sum3A_143 = vector.multi_reduction <add>, %select_n3A_141, %reduce_sum3A_142 [1] : vector<2048x128xf32> to vector<2048xf32>
    %broadcast_in_dim3A_144 = vector.shape_cast %reduce_sum3A_143 : vector<2048xf32> to vector<2048x1xf32>
    %eq3A_145 = arith.constant 0.000000e+00 : f32
    %eq3A_146 = vector.broadcast %eq3A_145 : f32 to vector<2048x128xf32>
    %eq3A_147 = arith.cmpf oeq, %convert_element_type3A, %eq3A_146 : vector<2048x128xf32>
    %jit3A_148 = arith.constant 0.000000e+00 : f32
    %broadcast_in_dim3A_149 = vector.shape_cast %broadcast_in_dim3A_135 : vector<2048x1xf32> to vector<2048x1xf32>
    %broadcast_in_dim3A_150 = vector.broadcast %broadcast_in_dim3A_149 : vector<2048x1xf32> to vector<2048x128xf32>
    %broadcast_in_dim3A_151 = vector.broadcast %jit3A_148 : f32 to vector<2048x128xf32>
    %select_n3A_152 = arith.select %eq3A_147, %broadcast_in_dim3A_150, %broadcast_in_dim3A_151 : vector<2048x128xi1>, vector<2048x128xf32>
    %eq3A_153 = arith.constant 1.000000e+00 : f32
    %eq3A_154 = vector.broadcast %eq3A_153 : f32 to vector<2048x128xf32>
    %eq3A_155 = arith.cmpf oeq, %convert_element_type3A, %eq3A_154 : vector<2048x128xf32>
    %jit3A_156 = arith.constant 0.000000e+00 : f32
    %broadcast_in_dim3A_157 = vector.shape_cast %broadcast_in_dim3A_144 : vector<2048x1xf32> to vector<2048x1xf32>
    %broadcast_in_dim3A_158 = vector.broadcast %broadcast_in_dim3A_157 : vector<2048x1xf32> to vector<2048x128xf32>
    %broadcast_in_dim3A_159 = vector.broadcast %jit3A_156 : f32 to vector<2048x128xf32>
    %select_n3A_160 = arith.select %eq3A_155, %broadcast_in_dim3A_158, %broadcast_in_dim3A_159 : vector<2048x128xi1>, vector<2048x128xf32>
    %add3A_161 = arith.addf %select_n3A_152, %select_n3A_160 : vector<2048x128xf32>
    %convert_element_type3A_162 = arith.fptosi %add3A_161 : vector<2048x128xf32> to vector<2048x128xi32>
    %swap3A = arith.constant 0 : index
    %swap3A_163 = arith.constant 0 : index
    %swap3A_164 = vector.load %arg2[%swap3A, %swap3A_163] : memref<2048x128xi32, #tpu.memory_space<vmem>>, vector<2048x128xi32>
    tpu.vector_store %arg2[%swap3A, %swap3A_163], %convert_element_type3A_162 {strides = array<i32>} : memref<2048x128xi32, #tpu.memory_space<vmem>>, vector<2048x128xi32>,
    %broadcast_in_dim3A_165 = vector.shape_cast %div3A_26 : vector<2048x1xf32> to vector<2048x1xf32>
    %broadcast_in_dim3A_166 = vector.broadcast %broadcast_in_dim3A_165 : vector<2048x1xf32> to vector<2048x128xf32>
    %swap3A_167 = arith.constant 0 : index
    %swap3A_168 = arith.constant 0 : index
    %swap3A_169 = vector.load %arg3[%swap3A_167, %swap3A_168] : memref<2048x128xf32, #tpu.memory_space<vmem>>, vector<2048x128xf32>
    tpu.vector_store %arg3[%swap3A_167, %swap3A_168], %broadcast_in_dim3A_166 {strides = array<i32>} : memref<2048x128xf32, #tpu.memory_space<vmem>>, vector<2048x128xf32>,
    %broadcast_in_dim3A_170 = vector.shape_cast %div3A_30 : vector<2048x1xf32> to vector<2048x1xf32>
    %broadcast_in_dim3A_171 = vector.broadcast %broadcast_in_dim3A_170 : vector<2048x1xf32> to vector<2048x128xf32>
    %swap3A_172 = arith.constant 0 : index
    %swap3A_173 = arith.constant 0 : index
    %swap3A_174 = vector.load %arg4[%swap3A_172, %swap3A_173] : memref<2048x128xf32, #tpu.memory_space<vmem>>, vector<2048x128xf32>
    tpu.vector_store %arg4[%swap3A_172, %swap3A_173], %broadcast_in_dim3A_171 {strides = array<i32>} : memref<2048x128xf32, #tpu.memory_space<vmem>>, vector<2048x128xf32>,
    %iota3A_175 = tpu.iota {dimensions = array<i32: 0>} : vector<128x128xi32>
    %convert_element_type3A_176 = arith.sitofp %iota3A_175 : vector<128x128xi32> to vector<128x128xf32>
    %mul3A_177 = arith.constant 2.560000e+02 : f32
    %mul3A_178 = vector.broadcast %mul3A_177 : f32 to vector<128x128xf32>
    %mul3A_179 = arith.mulf %convert_element_type3A_176, %mul3A_178 : vector<128x128xf32>
    %iota3A_180 = tpu.iota {dimensions = array<i32: 1>} : vector<128x128xi32>
    %convert_element_type3A_181 = arith.sitofp %iota3A_180 : vector<128x128xi32> to vector<128x128xf32>
    %broadcast_in_dim3A_182 = vector.shape_cast %sub3A_101 : vector<1x128xf32> to vector<1x128xf32>
    %broadcast_in_dim3A_183 = vector.broadcast %broadcast_in_dim3A_182 : vector<1x128xf32> to vector<128x128xf32>
    %le3A_184 = arith.cmpf ole, %broadcast_in_dim3A_183, %mul3A_179 : vector<128x128xf32>
    %lt3A_185 = arith.constant 8.000000e+00 : f32
    %lt3A_186 = vector.broadcast %lt3A_185 : f32 to vector<128x128xf32>
    %lt3A_187 = arith.cmpf olt, %convert_element_type3A_181, %lt3A_186 : vector<128x128xf32>
    %and3A_188 = arith.andi %le3A_184, %lt3A_187 : vector<128x128xi1>
    %jit3A_189 = arith.constant 1.000000e+00 : f32
    %jit3A_190 = arith.constant 0.000000e+00 : f32
    %broadcast_in_dim3A_191 = vector.broadcast %jit3A_189 : f32 to vector<128x128xf32>
    %broadcast_in_dim3A_192 = vector.broadcast %jit3A_190 : f32 to vector<128x128xf32>
    %select_n3A_193 = arith.select %and3A_188, %broadcast_in_dim3A_191, %broadcast_in_dim3A_192 : vector<128x128xi1>, vector<128x128xf32>
    %reduce_sum3A_194 = arith.constant dense<0.000000e+00> : vector<128xf32>
    %reduce_sum3A_195 = vector.multi_reduction <add>, %select_n3A_193, %reduce_sum3A_194 [1] : vector<128x128xf32> to vector<128xf32>
    %broadcast_in_dim3A_196 = vector.shape_cast %reduce_sum3A_195 : vector<128xf32> to vector<128x1xf32>
    %sub3A_197 = arith.constant 1.000000e+00 : f32
    %sub3A_198 = vector.broadcast %sub3A_197 : f32 to vector<128x1xf32>
    %sub3A_199 = arith.subf %broadcast_in_dim3A_196, %sub3A_198 : vector<128x1xf32>
    %convert_element_type3A_200 = arith.fptosi %sub3A_199 : vector<128x1xf32> to vector<128x1xi32>
    %swap3A_201 = arith.constant 0 : index
    %swap3A_202 = arith.constant 0 : index
    %swap3A_203 = vector.load %arg5[%swap3A_201, %swap3A_202] : memref<128x1xi32, #tpu.memory_space<vmem>>, vector<128x1xi32>
    tpu.vector_store %arg5[%swap3A_201, %swap3A_202], %convert_element_type3A_200 {strides = array<i32>} : memref<128x1xi32, #tpu.memory_space<vmem>>, vector<128x1xi32>,
    %eq3A_204 = arith.constant 7.000000e+00 : f32
    %eq3A_205 = vector.broadcast %eq3A_204 : f32 to vector<1x128xf32>
    %eq3A_206 = arith.cmpf oeq, %convert_element_type3A_62, %eq3A_205 : vector<1x128xf32>
    %jit3A_207 = arith.constant 0.000000e+00 : f32
    %broadcast_in_dim3A_208 = vector.broadcast %jit3A_207 : f32 to vector<1x128xf32>
    %select_n3A_209 = arith.select %eq3A_206, %add3A_100, %broadcast_in_dim3A_208 : vector<1x128xi1>, vector<1x128xf32>
    %reduce_sum3A_210 = arith.constant dense<0.000000e+00> : vector<1xf32>
    %reduce_sum3A_211 = vector.multi_reduction <add>, %select_n3A_209, %reduce_sum3A_210 [1] : vector<1x128xf32> to vector<1xf32>
    %broadcast_in_dim3A_212 = vector.shape_cast %reduce_sum3A_211 : vector<1xf32> to vector<1x1xf32>
    %mul3A_213 = arith.constant 3.906250e-03 : f32
    %mul3A_214 = vector.broadcast %mul3A_213 : f32 to vector<1x1xf32>
    %mul3A_215 = arith.mulf %broadcast_in_dim3A_212, %mul3A_214 : vector<1x1xf32>
    %convert_element_type3A_216 = arith.fptosi %mul3A_215 : vector<1x1xf32> to vector<1x1xi32>
    %swap3A_217 = arith.constant 0 : index
    %swap3A_218 = arith.constant 0 : index
    %swap3A_219 = vector.load %arg6[%swap3A_217, %swap3A_218] : memref<1x1xi32, #tpu.memory_space<vmem>>, vector<1x1xi32>
    tpu.vector_store %arg6[%swap3A_217, %swap3A_218], %convert_element_type3A_216 {strides = array<i32>} : memref<1x1xi32, #tpu.memory_space<vmem>>, vector<1x1xi32>,
    return
  }
  func.func @transform_0(%arg0: i32) -> (i32, i32) {
    %c0_i32 = arith.constant 0 : i32
    %c0_i32_0 = arith.constant 0 : i32
    %c0_i32_1 = arith.constant 0 : i32
    return %c0_i32, %c0_i32_0 : i32, i32
  }
  func.func @transform_1(%arg0: i32) -> (i32, i32) {
    %c0_i32 = arith.constant 0 : i32
    %c0_i32_0 = arith.constant 0 : i32
    %c0_i32_1 = arith.constant 0 : i32
    return %c0_i32, %c0_i32_0 : i32, i32
  }
  func.func @transform_2(%arg0: i32) -> (i32, i32) {
    %c0_i32 = arith.constant 0 : i32
    %c0_i32_0 = arith.constant 0 : i32
    %c0_i32_1 = arith.constant 0 : i32
    return %c0_i32, %c0_i32_0 : i32, i32
  }
  func.func @transform_3(%arg0: i32) -> (i32, i32) {
    %c0_i32 = arith.constant 0 : i32
    %c0_i32_0 = arith.constant 0 : i32
    %c0_i32_1 = arith.constant 0 : i32
    return %c0_i32, %c0_i32_0 : i32, i32
  }
  func.func @transform_4(%arg0: i32) -> (i32, i32) {
    %c0_i32 = arith.constant 0 : i32
    %c0_i32_0 = arith.constant 0 : i32
    %c0_i32_1 = arith.constant 0 : i32
    return %c0_i32, %c0_i32_0 : i32, i32
  }
  func.func @transform_5(%arg0: i32) -> (i32, i32) {
    %c0_i32 = arith.constant 0 : i32
    %c0_i32_0 = arith.constant 0 : i32
    %c0_i32_1 = arith.constant 0 : i32
    return %c0_i32, %c0_i32_0 : i32, i32
  }
}

module attributes {stable_mosaic.version = 14 : i64} {
  func.func @_moe_mlp_kernel(%arg0: i32, %arg1: memref<25xi32, #tpu.memory_space<smem>>, %arg2: memref<256x1024xf32, #tpu.memory_space<vmem>>, %arg3: memref<1x512x1024xf32, #tpu.memory_space<vmem>>, %arg4: memref<1x512x1024xf32, #tpu.memory_space<vmem>>, %arg5: memref<1x1024x512xf32, #tpu.memory_space<vmem>>, %arg6: memref<256x1024xf32, #tpu.memory_space<vmem>>) attributes {dimension_semantics = [#tpu.dimension_semantics<arbitrary>], iteration_bounds = array<i64: 24>, scalar_prefetch = 1 : i64, scratch_operands = 0 : i64, tpu.core_type = #tpu.core_type<tc>, window_params = [{transform_indices = @transform_0, window_bounds = array<i64: 256, 1024>}, {transform_indices = @transform_1, window_bounds = array<i64: 1, 512, 1024>}, {transform_indices = @transform_2, window_bounds = array<i64: 1, 512, 1024>}, {transform_indices = @transform_3, window_bounds = array<i64: 1, 1024, 512>}, {transform_indices = @transform_4, window_bounds = array<i64: 256, 1024>}]} {
    %get3A = arith.constant 24 : index
    %get3A_0 = memref.load %arg1[%get3A] : memref<25xi32, #tpu.memory_space<smem>>
    %lt3A = arith.cmpi slt, %arg0, %get3A_0 : i32
    %convert_element_type3A = arith.extui %lt3A : i1 to i32
    %cond3A = arith.constant 0 : i32
    %cond3A_1 = arith.cmpi ne, %convert_element_type3A, %cond3A : i32
    scf.if %cond3A_1 {
      %get3A_2 = arith.constant 0 : index
      %get3A_3 = arith.constant 0 : index
      %get3A_4 = vector.load %arg2[%get3A_2, %get3A_3] : memref<256x1024xf32, #tpu.memory_space<vmem>>, vector<256x1024xf32>
      %get3A_5 = arith.constant 0 : index
      %get3A_6 = arith.constant 0 : index
      %get3A_7 = arith.constant 0 : index
      %get3A_8 = vector.load %arg3[%get3A_5, %get3A_6, %get3A_7] : memref<1x512x1024xf32, #tpu.memory_space<vmem>>, vector<1x512x1024xf32>
      %get3A_9 = vector.shape_cast %get3A_8 : vector<1x512x1024xf32> to vector<512x1024xf32>
      %convert_element_type3A_10 = arith.truncf %get3A_4 : vector<256x1024xf32> to vector<256x1024xbf16>
      %convert_element_type3A_11 = arith.truncf %get3A_9 : vector<512x1024xf32> to vector<512x1024xbf16>
      %dot_general3A = arith.constant dense<0.000000e+00> : vector<256x512xf32>
      %dot_general3A_12 = tpu.matmul %convert_element_type3A_10, %convert_element_type3A_11, %dot_general3A {dimension_numbers = #tpu.dot_dimension_numbers<[1], [1], [0], [0], [0, 0, 1, 0], [], []>, transpose_lhs_hint = false} : vector<256x1024xbf16>, vector<512x1024xbf16>, vector<256x512xf32> -> vector<256x512xf32>
      %get3A_13 = arith.constant 0 : index
      %get3A_14 = arith.constant 0 : index
      %get3A_15 = arith.constant 0 : index
      %get3A_16 = vector.load %arg4[%get3A_13, %get3A_14, %get3A_15] : memref<1x512x1024xf32, #tpu.memory_space<vmem>>, vector<1x512x1024xf32>
      %get3A_17 = vector.shape_cast %get3A_16 : vector<1x512x1024xf32> to vector<512x1024xf32>
      %convert_element_type3A_18 = arith.truncf %get3A_4 : vector<256x1024xf32> to vector<256x1024xbf16>
      %convert_element_type3A_19 = arith.truncf %get3A_17 : vector<512x1024xf32> to vector<512x1024xbf16>
      %dot_general3A_20 = arith.constant dense<0.000000e+00> : vector<256x512xf32>
      %dot_general3A_21 = tpu.matmul %convert_element_type3A_18, %convert_element_type3A_19, %dot_general3A_20 {dimension_numbers = #tpu.dot_dimension_numbers<[1], [1], [0], [0], [0, 0, 1, 0], [], []>, transpose_lhs_hint = false} : vector<256x1024xbf16>, vector<512x1024xbf16>, vector<256x512xf32> -> vector<256x512xf32>
      %logistic3A = arith.negf %dot_general3A_12 : vector<256x512xf32>
      %logistic3A_22 = math.exp %logistic3A : vector<256x512xf32>
      %logistic3A_23 = arith.constant 1.000000e+00 : f32
      %logistic3A_24 = vector.broadcast %logistic3A_23 : f32 to vector<256x512xf32>
      %logistic3A_25 = arith.addf %logistic3A_24, %logistic3A_22 : vector<256x512xf32>
      %logistic3A_26 = arith.divf %logistic3A_24, %logistic3A_25 : vector<256x512xf32>
      %mul3A = arith.mulf %dot_general3A_12, %logistic3A_26 : vector<256x512xf32>
      %mul3A_27 = arith.mulf %mul3A, %dot_general3A_21 : vector<256x512xf32>
      %get3A_28 = arith.constant 0 : index
      %get3A_29 = arith.constant 0 : index
      %get3A_30 = arith.constant 0 : index
      %get3A_31 = vector.load %arg5[%get3A_28, %get3A_29, %get3A_30] : memref<1x1024x512xf32, #tpu.memory_space<vmem>>, vector<1x1024x512xf32>
      %get3A_32 = vector.shape_cast %get3A_31 : vector<1x1024x512xf32> to vector<1024x512xf32>
      %convert_element_type3A_33 = arith.truncf %mul3A_27 : vector<256x512xf32> to vector<256x512xbf16>
      %convert_element_type3A_34 = arith.truncf %get3A_32 : vector<1024x512xf32> to vector<1024x512xbf16>
      %dot_general3A_35 = arith.constant dense<0.000000e+00> : vector<256x1024xf32>
      %dot_general3A_36 = tpu.matmul %convert_element_type3A_33, %convert_element_type3A_34, %dot_general3A_35 {dimension_numbers = #tpu.dot_dimension_numbers<[1], [1], [0], [0], [0, 0, 1, 0], [], []>, transpose_lhs_hint = false} : vector<256x512xbf16>, vector<1024x512xbf16>, vector<256x1024xf32> -> vector<256x1024xf32>
      %swap3A = arith.constant 0 : index
      %swap3A_37 = arith.constant 0 : index
      %swap3A_38 = vector.load %arg6[%swap3A, %swap3A_37] : memref<256x1024xf32, #tpu.memory_space<vmem>>, vector<256x1024xf32>
      tpu.vector_store %arg6[%swap3A, %swap3A_37], %dot_general3A_36 {strides = array<i32>} : memref<256x1024xf32, #tpu.memory_space<vmem>>, vector<256x1024xf32>,
    } else {
    }
    return
  }
  func.func @transform_0(%arg0: i32, %arg1: memref<25xi32, #tpu.memory_space<smem>>) -> (i32, i32) {
    %c0_i32 = arith.constant 0 : i32
    %c0_i32_0 = arith.constant 0 : i32
    return %arg0, %c0_i32 : i32, i32
  }
  func.func @transform_1(%arg0: i32, %arg1: memref<25xi32, #tpu.memory_space<smem>>) -> (i32, i32, i32) {
    %get3A = arith.index_cast %arg0 : i32 to index
    %get3A_0 = memref.load %arg1[%get3A] : memref<25xi32, #tpu.memory_space<smem>>
    %c0_i32 = arith.constant 0 : i32
    %c0_i32_1 = arith.constant 0 : i32
    %c0_i32_2 = arith.constant 0 : i32
    return %get3A_0, %c0_i32, %c0_i32_1 : i32, i32, i32
  }
  func.func @transform_2(%arg0: i32, %arg1: memref<25xi32, #tpu.memory_space<smem>>) -> (i32, i32, i32) {
    %get3A = arith.index_cast %arg0 : i32 to index
    %get3A_0 = memref.load %arg1[%get3A] : memref<25xi32, #tpu.memory_space<smem>>
    %c0_i32 = arith.constant 0 : i32
    %c0_i32_1 = arith.constant 0 : i32
    %c0_i32_2 = arith.constant 0 : i32
    return %get3A_0, %c0_i32, %c0_i32_1 : i32, i32, i32
  }
  func.func @transform_3(%arg0: i32, %arg1: memref<25xi32, #tpu.memory_space<smem>>) -> (i32, i32, i32) {
    %get3A = arith.index_cast %arg0 : i32 to index
    %get3A_0 = memref.load %arg1[%get3A] : memref<25xi32, #tpu.memory_space<smem>>
    %c0_i32 = arith.constant 0 : i32
    %c0_i32_1 = arith.constant 0 : i32
    %c0_i32_2 = arith.constant 0 : i32
    return %get3A_0, %c0_i32, %c0_i32_1 : i32, i32, i32
  }
  func.func @transform_4(%arg0: i32, %arg1: memref<25xi32, #tpu.memory_space<smem>>) -> (i32, i32) {
    %c0_i32 = arith.constant 0 : i32
    %c0_i32_0 = arith.constant 0 : i32
    return %arg0, %c0_i32 : i32, i32
  }
}

module attributes {stable_mosaic.version = 14 : i64} {
  func.func @_fin_kernel(%arg0: i32, %arg1: memref<512x1024xf32, #tpu.memory_space<vmem>>, %arg2: memref<512x1024xf32, #tpu.memory_space<vmem>>, %arg3: memref<512x1024xf32, #tpu.memory_space<vmem>>, %arg4: memref<512x128xf32, #tpu.memory_space<vmem>>, %arg5: memref<512x128xf32, #tpu.memory_space<vmem>>, %arg6: memref<512x1024xf32, #tpu.memory_space<vmem>>) attributes {dimension_semantics = [#tpu.dimension_semantics<arbitrary>], iteration_bounds = array<i64: 4>, scalar_prefetch = 0 : i64, scratch_operands = 0 : i64, tpu.core_type = #tpu.core_type<tc>, window_params = [{transform_indices = @transform_0, window_bounds = array<i64: 512, 1024>}, {transform_indices = @transform_1, window_bounds = array<i64: 512, 1024>}, {transform_indices = @transform_2, window_bounds = array<i64: 512, 1024>}, {transform_indices = @transform_3, window_bounds = array<i64: 512, 128>}, {transform_indices = @transform_4, window_bounds = array<i64: 512, 128>}, {transform_indices = @transform_5, window_bounds = array<i64: 512, 1024>}]} {
    %get3A = arith.constant 0 : index
    %get3A_0 = arith.constant 0 : index
    %get3A_1 = vector.load %arg1[%get3A, %get3A_0] : memref<512x1024xf32, #tpu.memory_space<vmem>>, vector<512x1024xf32>
    %get3A_2 = arith.constant 0 : index
    %get3A_3 = arith.constant 0 : index
    %get3A_4 = vector.load %arg4[%get3A_2, %get3A_3] : memref<512x128xf32, #tpu.memory_space<vmem>>, vector<512x1xf32>
    %get3A_5 = arith.constant 0 : index
    %get3A_6 = arith.constant 0 : index
    %get3A_7 = vector.load %arg2[%get3A_5, %get3A_6] : memref<512x1024xf32, #tpu.memory_space<vmem>>, vector<512x1024xf32>
    %mul3A = vector.broadcast %get3A_4 : vector<512x1xf32> to vector<512x1024xf32>
    %mul3A_8 = arith.mulf %mul3A, %get3A_7 : vector<512x1024xf32>
    %add3A = arith.addf %get3A_1, %mul3A_8 : vector<512x1024xf32>
    %get3A_9 = arith.constant 0 : index
    %get3A_10 = arith.constant 0 : index
    %get3A_11 = vector.load %arg5[%get3A_9, %get3A_10] : memref<512x128xf32, #tpu.memory_space<vmem>>, vector<512x1xf32>
    %get3A_12 = arith.constant 0 : index
    %get3A_13 = arith.constant 0 : index
    %get3A_14 = vector.load %arg3[%get3A_12, %get3A_13] : memref<512x1024xf32, #tpu.memory_space<vmem>>, vector<512x1024xf32>
    %mul3A_15 = vector.broadcast %get3A_11 : vector<512x1xf32> to vector<512x1024xf32>
    %mul3A_16 = arith.mulf %mul3A_15, %get3A_14 : vector<512x1024xf32>
    %add3A_17 = arith.addf %add3A, %mul3A_16 : vector<512x1024xf32>
    %swap3A = arith.constant 0 : index
    %swap3A_18 = arith.constant 0 : index
    %swap3A_19 = vector.load %arg6[%swap3A, %swap3A_18] : memref<512x1024xf32, #tpu.memory_space<vmem>>, vector<512x1024xf32>
    tpu.vector_store %arg6[%swap3A, %swap3A_18], %add3A_17 {strides = array<i32>} : memref<512x1024xf32, #tpu.memory_space<vmem>>, vector<512x1024xf32>,
    return
  }
  func.func @transform_0(%arg0: i32) -> (i32, i32) {
    %c0_i32 = arith.constant 0 : i32
    %c0_i32_0 = arith.constant 0 : i32
    return %arg0, %c0_i32 : i32, i32
  }
  func.func @transform_1(%arg0: i32) -> (i32, i32) {
    %c0_i32 = arith.constant 0 : i32
    %c0_i32_0 = arith.constant 0 : i32
    return %arg0, %c0_i32 : i32, i32
  }
  func.func @transform_2(%arg0: i32) -> (i32, i32) {
    %c0_i32 = arith.constant 0 : i32
    %c0_i32_0 = arith.constant 0 : i32
    return %arg0, %c0_i32 : i32, i32
  }
  func.func @transform_3(%arg0: i32) -> (i32, i32) {
    %c0_i32 = arith.constant 0 : i32
    %c0_i32_0 = arith.constant 0 : i32
    return %arg0, %c0_i32 : i32, i32
  }
  func.func @transform_4(%arg0: i32) -> (i32, i32) {
    %c0_i32 = arith.constant 0 : i32
    %c0_i32_0 = arith.constant 0 : i32
    return %arg0, %c0_i32 : i32, i32
  }
  func.func @transform_5(%arg0: i32) -> (i32, i32) {
    %c0_i32 = arith.constant 0 : i32
    %c0_i32_0 = arith.constant 0 : i32
    return %arg0, %c0_i32 : i32, i32
  }
}

</mosaic_0001>

<sc_bundles>
// kernel: kernel.10.cloned.1.call-start
scs
__scs_entry_jumppad:
0x0: {  	(pc) =	sbr.rel $0x88, $3  }
0x1: {  	(tag) =	ssettag $0x0;
	lr =	simm.s32 $0x1  }
0x2: {  	[smem:$0x3F96] =	sst lr;
	_ =	strace $0xD0000000  }
0x3: {  	_ = 	snop  }
0x4: {  	_ = 	snop  }
0x5: {  	_ = 	snop  }
0x6: {  	_ = 	snop  }
0x7: {  	_ = 	snop  }
__scs_overlays_trampoline_lowered:
0x8: {  	[smem:$0x3FA5] =	sst s0  }
0x9: {  	[smem:$0x3FA6] =	sst s1  }
0xa: {  	[smem:$0x3FA7] =	sst s2  }
0xb: {  	[smem:$0x3FA8] =	sst s3  }
0xc: {  	[smem:$0x3FA9] =	sst s4  }
0xd: {  	[smem:$0x3FAA] =	sst s5  }
0xe: {  	[smem:$0x3FAB] =	sst s6  }
0xf: {  	[smem:$0x3FAC] =	sst s7  }
0x10: {  	[smem:$0x3FAD] =	sst s8  }
0x11: {  	[smem:$0x3FAE] =	sst s9;
	s0 =	simm.s32 @!p0 $0x0  }
0x12: {  	s1 =	sld [smem:$0x3F94];
	s0 =	simm.s32 @p0 $0x1  }
0x13: {  	[smem:$0x3FAF] =	sst s0;
	s0 =	simm.s32 @!p1 $0x0  }
0x14: {  	s2 =	sld [smem:$0x3F93];
	s0 =	simm.s32 @p1 $0x1  }
0x15: {  	[smem:$0x3FB0] =	sst s0;
	s0 =	simm.s32 @!p2 $0x0  }
0x16: {  	s3 =	sld [smem:$0x3FDB];
	s0 =	simm.s32 @p2 $0x1  }
0x17: {  	s4 =	simm.s32 $0x1BF5;
	[smem:$0x3FB2] =	sst s0  }
0x18: {  	s0 =	sld [smem:$0x3F95];
	_ =	swait.ge [sflag:s4], $0x0  }
0x19: {  	s7 =	sld [smem:$0x3F96]  }
0x1a: {  	s8 =	sadd.s32 $0xFFFFE003, lr  }
0x1b: {  	s9 =	sadd.s32 $0xFFFFFEF7, lr;
	s5 =	simm.s32 $0xFFFFFFFF;
	p2 =	slt.u32 s8, $0xFFFFF086  }
0x1c: {  	p1 =	slt.u32 s9, $0xF7A;
	s5 =	simm.s32 @!p2 $0x0  }
0x1d: {  	s5 =	simm.s32 @p1 $0x1;
	p0 =	seq.s32 s7, s2  }
0x1e: {  	s7 =	smul.u32 @!p0 $0xF7A, s2;
	p2 =	seq.s32 @!p0 s5, $0x0  }
0x1f: {  	s9 =	smul.u32 $0xF7A, s1;
	s8 =	simm.s32 @!p0 $0x1BF5;
	p2 =	por !p2, p0  }
0x20: {  	[sflag:s8] =	ssyncset.s32 @!p0 $0xFFFFF086;
	s6 =	sadd.s32 @!p0 s3, s7;
	s7 =	simm.s32 @!p0 $0x108  }
0x21: {  	s3 =	sadd.s32 s3, s9;
	s6 =	sadd.s32 @!p0 $0x88, s6;
	s7 =	simm.s32 @p2 $0x1082  }
0x22: {  	[simem:s7], [sflag:s8] =	dma.local @!p0 [hbm:s6], $0xF7A  }
0x23: {  	s9 =	sor.u32 $0xD0000000, s2;
	s6 =	simm.s32 $0x108;
	_ =	swait.ge @!p0 [sflag:s8], $0x0  }
0x24: {  	s3 =	sadd.s32 $0x88, s3;
	s6 =	simm.s32 @!p1 $0x1082;
	[sflag:s4] =	ssyncset.s32 $0xFFFFF086  }
0x25: {  	[simem:s6], [sflag:s4] =	dma.local [hbm:s3], $0xF7A  }
0x26: {  	[smem:$0x3F96] =	sst s1;
	(tag) =	ssettag s2;
	_ =	strace s9  }
0x27: {  	s1 =	sld [smem:$0x3FA6]  }
0x28: {  	s2 =	sld [smem:$0x3FA7]  }
0x29: {  	s4 =	sld [smem:$0x3FA9]  }
0x2a: {  	p0 =	seq.s32 s5, $0x0;
	s5 =	sld [smem:$0x3FAA]  }
0x2b: {  	s6 =	sld [smem:$0x3FAB]  }
0x2c: {  	s7 =	sld [smem:$0x3FAC]  }
0x2d: {  	s3 =	simm.s32 $0x108;
	s8 =	sld [smem:$0x3FAD]  }
0x2e: {  	s3 =	simm.s32 @!p0 $0x1082;
	s9 =	sld [smem:$0x3FAE]  }
0x2f: {  	lr =	sadd.s32 s0, s3;
	s0 =	sld [smem:$0x3FA5]  }
0x30: {  	s3 =	sld [smem:$0x3FA8]  }
0x31: {  	[smem:$0x3FB1] =	sst s10  }
0x32: {  	s10 =	sld [smem:$0x3FAF];
	_ =	sdelay $0x3  }
0x33: {  	p0 =	seq.s32 s10, $0x1;
	s10 =	sld [smem:$0x3FB1];
	_ =	sdelay $0x3  }
0x34: {  	[smem:$0x3FB1] =	sst s10  }
0x35: {  	s10 =	sld [smem:$0x3FB0];
	_ =	sdelay $0x3  }
0x36: {  	p1 =	seq.s32 s10, $0x1;
	s10 =	sld [smem:$0x3FB1];
	_ =	sdelay $0x3  }
0x37: {  	[smem:$0x3FB1] =	sst s10  }
0x38: {  	s10 =	sld [smem:$0x3FB2]  }
0x39: {  	_ = 	snop;
	(pc) =	sbr.ind lr, $3  }
0x3a: {  	_ = 	snop  }
0x3b: {  	_ = 	snop  }
0x3c: {  	p2 =	seq.s32 s10, $0x1;
	s10 =	sld [smem:$0x3FB1]  }
0x3d: {  	_ =	shalt  }
0x3e: {  	_ =	shalt  }
0x3f: {  	_ =	shalt  }
0x40: {  	_ =	shalt  }
0x41: {  	_ =	shalt  }
0x42: {  	_ =	shalt  }
0x43: {  	_ =	shalt  }
0x44: {  	_ =	shalt  }
0x45: {  	_ =	shalt  }
0x46: {  	_ =	shalt  }
0x47: {  	_ =	shalt  }
0x48: {  	_ =	shalt  }
0x49: {  	_ =	shalt  }
0x4a: {  	_ =	shalt  }
0x4b: {  	_ =	shalt  }
0x4c: {  	_ =	shalt  }
0x4d: {  	_ =	shalt  }
0x4e: {  	_ =	shalt  }
0x4f: {  	_ =	shalt  }
0x50: {  	_ =	shalt  }
0x51: {  	_ =	shalt  }
0x52: {  	_ =	shalt  }
0x53: {  	_ =	shalt  }
0x54: {  	_ =	shalt  }
0x55: {  	_ =	shalt  }
0x56: {  	_ =	shalt  }
0x57: {  	_ =	shalt  }
0x58: {  	_ =	shalt  }
0x59: {  	_ =	shalt  }
0x5a: {  	_ =	shalt  }
0x5b: {  	_ =	shalt  }
0x5c: {  	_ =	shalt  }
0x5d: {  	_ =	shalt  }
0x5e: {  	_ =	shalt  }
0x5f: {  	_ =	shalt  }
0x60: {  	_ =	shalt  }
0x61: {  	_ =	shalt  }
0x62: {  	_ =	shalt  }
0x63: {  	_ =	shalt  }
0x64: {  	_ =	shalt  }
0x65: {  	_ =	shalt  }
0x66: {  	_ =	shalt  }
0x67: {  	_ =	shalt  }
0x68: {  	_ =	shalt  }
0x69: {  	_ =	shalt  }
0x6a: {  	_ =	shalt  }
0x6b: {  	_ =	shalt  }
0x6c: {  	_ =	shalt  }
0x6d: {  	_ =	shalt  }
0x6e: {  	_ =	shalt  }
0x6f: {  	_ =	shalt  }
0x70: {  	_ =	shalt  }
0x71: {  	_ =	shalt  }
0x72: {  	_ =	shalt  }
0x73: {  	_ =	shalt  }
0x74: {  	_ =	shalt  }
0x75: {  	_ =	shalt  }
0x76: {  	_ =	shalt  }
0x77: {  	_ =	shalt  }
0x78: {  	_ =	shalt  }
0x79: {  	_ =	shalt  }
0x7a: {  	_ =	shalt  }
0x7b: {  	_ =	shalt  }
0x7c: {  	_ =	shalt  }
0x7d: {  	_ =	shalt  }
0x7e: {  	_ =	shalt  }
0x7f: {  	_ =	shalt  }
0x80: {  	_ =	shalt  }
0x81: {  	_ =	shalt  }
0x82: {  	_ =	shalt  }
0x83: {  	_ =	shalt  }
0x84: {  	_ =	shalt  }
0x85: {  	_ =	shalt  }
0x86: {  	_ =	shalt  }
0x87: {  	_ =	shalt  }
.Lfunc_end0:
.L_simem_size_0:
called_computation.1_lowered:
.L_overlay_start_0:
0x88: {  	s2 =	sld [smem:$0x3FD9]  }
0x89: {  	s3 =	sld [smem:$0x3FFE];
	_ =	sdelay $0x1  }
0x8a: {  	s1 =	srdreg.scid  }
0x8b: {  	s0 =	sand.u32 $0x1, s1  }
0x8c: {  	s17 =	sshll.u32 s0, $0xA;
	s2 =	sadd.s32 s3, s2  }
0x8d: {  	s2 =	sadd.s32 s2, s17  }
0x8e: {  	[smem:$0x3FBD] =	sst s2  }
0x8f: {  	_ = 	snop  }
0x90: {  	s2 =	sld [smem:$0x3FD0];
	(tm) =	ssettm $0x1  }
0x91: {  	s18 =	sld [smem:$0x3FFB];
	_ =	sdelay $0x3  }
0x92: {  	_ =	strace s18  }
0x93: {  	s3 =	sld [smem:$0x3FFC];
	_ =	sdelay $0x3  }
0x94: {  	_ =	strace s3  }
0x95: {  	s3 =	sld [smem:$0x3FFD];
	_ =	sdelay $0x3  }
0x96: {  	_ =	strace s3  }
0x97: {  	_ =	strace $0x8FFFFFFF  }
0x98: {  	s19 =	sld [smem:$0x3FDB];
	_ =	sdelay $0x1  }
0x99: {  	s4 =	simm.s32 $_scs_section_size  }
0x9a: {  	s5 =	simm.s32 $_size__tile_overlayer_lowered;
	s6 =	simm.s32 $_tile_overlayer_lowered  }
0x9b: {  	s22 =	simm.s32 $0x1BFF;
	s21 =	sshll.u32 s6, $0x1;
	s3 =	sadd.s32 s4, s19  }
0x9c: {  	s7 =	simm.s32 $0x0;
	s20 =	sshll.u32 s5, $0x1;
	s5 =	sadd.s32 s21, s3  }
0x9d: {  	[timem:s7], [sflag:s22] =	dma.local [hbm:s5], s20  }
0x9e: {  	_ =	swait.ge [sflag:s22], s20  }
0x9f: {  	s4 =	ssub.s32 $0x0, s20;
	[sflag:s22] =	ssyncset.done $0x0  }
0xa0: {  	[sflag:s22] =	ssyncadd.s32 s4;
	_ =	sdelay $0x1  }
0xa1: {  	s23 =	simm.s32 $0x1B8B  }
0xa2: {  	_ =	swait.ge [sflag:s23], $0x1  }
0xa3: {  	[sflag:s23] =	ssyncset.done $0x0  }
0xa4: {  	s25 =	simm.s32 $0x1B8E;
	s24 =	sld [smem:$0x3FFE];
	[sflag:s23] =	ssyncadd.s32 $0xFFFFFFFF  }
0xa5: {  	s26 =	simm.s32 $execute0_lowered;
	[smem:$0x3FD2] =	sst s25  }
0xa6: {  	s5 =	sshll.u32 s26, $0x1;
	_ =	strace $0x80000049;
	[dreg:$0x1] =	wrdreg $0xFFFFFFFF  }
0xa7: {  	s28 =	simm.s32 $_size_execute0_lowered;
	s3 =	sadd.s32 s3, s5;
	[dreg:$0x0] =	wrdreg $0x0  }
0xa8: {  	s5 =	sshll.u32 s28, $0x1;
	[dreg:$0x2] =	wrdreg s3  }
0xa9: {  	[dreg:$0x3] =	wrdreg s5  }
0xaa: {  	[dreg:$0x4] =	wrdreg $0xC0  }
0xab: {  	_ =	task [dreg:s7], $0x5FFFF  }
0xac: {  	[dreg:$0x1] =	wrdreg $0xFFFFFFFF  }
0xad: {  	[dreg:$0x0] =	wrdreg $0x60  }
0xae: {  	[dreg:$0x2] =	wrdreg s24  }
0xaf: {  	[dreg:$0x3] =	wrdreg s2  }
0xb0: {  	[dreg:$0x4] =	wrdreg $0x9  }
0xb1: {  	_ =	task.clear_ibuf [dreg:s7], $0x5FFFF;
	_ =	strace $0x90000049  }
0xb2: {  	s29 =	simm.s32 $0x9;
	_ =	strace $0x8000004B  }
0xb3: {  	_ =	swait.ge [sflag:s29], $0x1  }
0xb4: {  	[sflag:s29] =	ssyncadd.s32 $0xFFFFFFFF  }
0xb5: {  	_ =	strace $0x9000004B  }
0xb6: {  	_ =	sfence  }
0xb7: {  	s30 =	sld [smem:$0x0];
	_ =	sdelay $0x2  }
0xb8: {  	s31 =	sshll.u32 s1, $0xD;
	s1 =	sshrl.u32 s1, $0x2  }
0xb9: {  	s3 =	sand.u32 $0x4000, s31;
	s1 =	sadd.s32 s1, s30  }
0xba: {  	s0 =	sor.u32 s3, s0;
	s1 =	sshll.u32 s1, $0x11  }
0xbb: {  	s0 =	sor.u32 s1, s0  }
0xbc: {  	s0 =	sadd.s32 $0x8F2B, s0  }
0xbd: {  	[sflag:s0] =	ssyncadd.remote.s32 $0x1  }
0xbe: {  	_ =	sfence.sel $0xFFFF  }
0xbf: {  	[dreg:$0x0] =	wrdreg $0xFFFFFFFF;
	(pc) =	sbr.abs _section_cstart, $3  }
0xc0: {  	[dreg:$0x1] =	wrdreg $0xFFFFFFFF  }
0xc1: {  	_ =	task.clear_ibuf [dreg:s7], $0x2FFFF;
	_ =	strace $0x9FFFFFFF  }
0xc2: {  	(tm) =	ssettm $0x7FFFFFFF  }
0xc3: {  	_ =	shalt  }
tec
execute0_lowered:
.L_overlay_start_1:
0x0: {  	(tag) =	ssettag $0x1  }
0x1: {  	s0 =	rddreg [dreg:$0x0]  }
0x2: {  	s10 =	rddreg [dreg:$0x1];
	s2 =	simm.s32 $0x0;
	s3 =	srdreg.scid  }
0x3: {  	s1 =	stileid.u32;
	s16 =	simm.s32 $0x880;
	s17 =	simm.s32 $0x1080  }
0x4: {  	s18 =	simm.s32 $0x1880;
	s19 =	simm.s32 $0x2080;
	s20 =	simm.s32 $0x2880  }
0x5: {  	s21 =	simm.s32 $0x3080;
	s22 =	simm.s32 $0x3880;
	s28 =	simm.s32 $0x6080  }
0x6: {  	s29 =	simm.s32 $0x6880;
	s30 =	simm.s32 $0x7080;
	s31 =	simm.s32 $0x7880  }
0x7: {  	[smem:$0x7FF] =	sst s2;
	s4 =	sand.u32 $0x1, s3;
	s5 =	sshll.u32 s1, $0x7  }
0x8: {  	s3 =	sadd.s32 $0xC1E00, s0;
	s9 =	sadd.s32 $0x1C00, s0;
	s11 =	sadd.s32 $0x1A00, s0  }
0x9: {  	s12 =	sadd.s32 $0x1E00, s0;
	s6 =	sshll.u32 s4, $0x6;
	s4 =	ssub.s32 $0x2, s4  }
0xa: {  	_ =	strace $0x8000004A;
	s7 =	sor.u32 s6, s5;
	s23 =	sshrl.u32 s4, $0x1  }
0xb: {  	s5 =	sadd.s32 $0xC2000, s0;
	s6 =	sadd.s32 $0xC2100, s0;
	s8 =	sshrl.u32 s7, $0x3  }
0xc: {  	s13 =	ssub.s32 s4, s23;
	s14 =	sshll.u32 s7, $0x7;
	s4 =	sadd.s32 $0xC1F00, s0  }
0xd: {  	s25 =	sor.u32 $0x20, s7;
	s23 =	simm.s32 $0x4080;
	s24 =	sadd.s32 s9, s8  }
0xe: {  	s15 =	sadd.s32 s10, s14;
	s7 =	sadd.s32 s11, s8;
	s26 =	sshrl.u32 s25, $0x3  }
0xf: {  	s0 =	sshll.u32 s25, $0x7;
	s8 =	sadd.s32 s12, s14;
	s13 =	smax.u32 s13, $0x1  }
0x10: {  	s14 =	simm.s32 $0x2;
	s25 =	simm.s32 $0x5080;
	[dreg:$0x3] =	wrdreg s24  }
0x11: {  	v2 =	vlaneseq.u32;
	[dreg:$0x4] =	wrdreg s15;
	s9 =	sadd.s32 s9, s26;
	s10 =	sadd.s32 s10, s0  }
0x12: {  	vm0 =	vmmov $0xffff;
	v1 =	vshrl.u32 v2, $0x3;
	s11 =	sadd.s32 s11, s26;
	s12 =	sadd.s32 s12, s0;
	s15 =	simm.s32 $0x80  }
0x13: {  	v0 =	vand.u32 $0x7, v2;
	v2 =	vor.u32 $0x8, v2;
	v1 =	vmul.u32 $0x8, v1;
	s24 =	simm.s32 $0x4880;
	s26 =	simm.s32 $0x5880;
	s0 =	simm.s32 $0x1  }
.LBB2_1:
0x14: {  	s1 =	rddreg [dreg:$0x3]  }
0x15: {  	[tilespmem:s2], [sflag:$0x2] =	stream.linear.gather [hbm4b:s1+s2], $0x20, $0x38;
	[tilespmem:$0x8080] =	vst v63  }
0x16: {  	_ =	swait.ge [sflag:s14], $0x20  }
0x17: {  	[sflag:s14] =	ssyncset.done $0x0  }
0x18: {  	[sflag:s14] =	ssyncadd.s32 $0xFFFFFFE0  }
0x19: {  	v3 =	vld [tilespmem:$0x0];
	_ =	sdelay $0x4  }
0x1a: {  	v4 =	vshll.u32 v3, $0x3  }
0x1b: {  	v3 =	vand.u32 $0x7, v3;
	v4 =	vand.u32 $0xFFFFFFC0, v4  }
0x1c: {  	v3 =	vor.u32 v3, v4  }
0x1d: {  	v4 =	vperm.xlane v3, v0;
	_ =	sdelay $0x1  }
0x1e: {  	v4 =	vadd.s32 v1, v4;
	_ =	sdelay $0x4  }
0x1f: {  	[tilespmem:s15], [sflag:$0x1] =	stream.indirect_vreg.gather [hbm4b:s3+s2], $0x80, v4, vm0, $0xb8;
	[tilespmem:$0x8080] =	vst v63  }
0x20: {  	v3 =	vperm.xlane v3, v2  }
0x21: {  	[tilespmem:s16], [sflag:$0x1] =	stream.indirect_vreg.gather [hbm4b:s4+s2], $0x80, v4, vm0, $0xb8;
	[tilespmem:$0x8080] =	vst v63  }
0x22: {  	v3 =	vadd.s32 v1, v3  }
0x23: {  	[tilespmem:s17], [sflag:$0x1] =	stream.indirect_vreg.gather [hbm4b:s5+s2], $0x80, v4, vm0, $0xb8;
	[tilespmem:$0x8080] =	vst v63  }
0x24: {  	_ = 	snop  }
0x25: {  	[tilespmem:s18], [sflag:$0x1] =	stream.indirect_vreg.gather [hbm4b:s6+s2], $0x80, v4, vm0, $0xb8;
	[tilespmem:$0x8080] =	vst v63  }
0x26: {  	_ = 	snop  }
0x27: {  	[tilespmem:s19], [sflag:$0x1] =	stream.indirect_vreg.gather [hbm4b:s3+s2], $0x80, v3, vm0, $0xb8;
	[tilespmem:$0x8080] =	vst v63  }
0x28: {  	_ = 	snop  }
0x29: {  	[tilespmem:s20], [sflag:$0x1] =	stream.indirect_vreg.gather [hbm4b:s4+s2], $0x80, v3, vm0, $0xb8;
	[tilespmem:$0x8080] =	vst v63  }
0x2a: {  	_ = 	snop  }
0x2b: {  	[tilespmem:s21], [sflag:$0x1] =	stream.indirect_vreg.gather [hbm4b:s5+s2], $0x80, v3, vm0, $0xb8;
	[tilespmem:$0x8080] =	vst v63  }
0x2c: {  	_ = 	snop  }
0x2d: {  	[tilespmem:s22], [sflag:$0x1] =	stream.indirect_vreg.gather [hbm4b:s6+s2], $0x80, v3, vm0, $0xb8;
	[tilespmem:$0x8080] =	vst v63  }
0x2e: {  	v3 =	vld [tilespmem:$0x10];
	_ =	sdelay $0x4  }
0x2f: {  	v57 =	vshll.u32 v3, $0x3  }
0x30: {  	v3 =	vand.u32 $0x7, v3;
	v4 =	vand.u32 $0xFFFFFFC0, v57  }
0x31: {  	v3 =	vor.u32 v3, v4  }
0x32: {  	v4 =	vperm.xlane v3, v0;
	_ =	sdelay $0x1  }
0x33: {  	v4 =	vadd.s32 v1, v4;
	_ =	sdelay $0x4  }
0x34: {  	[tilespmem:s23], [sflag:$0x1] =	stream.indirect_vreg.gather [hbm4b:s3+s2], $0x80, v4, vm0, $0xb8;
	[tilespmem:$0x8080] =	vst v63  }
0x35: {  	v3 =	vperm.xlane v3, v2  }
0x36: {  	[tilespmem:s24], [sflag:$0x1] =	stream.indirect_vreg.gather [hbm4b:s4+s2], $0x80, v4, vm0, $0xb8;
	[tilespmem:$0x8080] =	vst v63  }
0x37: {  	v3 =	vadd.s32 v1, v3  }
0x38: {  	[tilespmem:s25], [sflag:$0x1] =	stream.indirect_vreg.gather [hbm4b:s5+s2], $0x80, v4, vm0, $0xb8;
	[tilespmem:$0x8080] =	vst v63  }
0x39: {  	_ = 	snop  }
0x3a: {  	[tilespmem:s26], [sflag:$0x1] =	stream.indirect_vreg.gather [hbm4b:s6+s2], $0x80, v4, vm0, $0xb8;
	[tilespmem:$0x8080] =	vst v63  }
0x3b: {  	_ = 	snop  }
0x3c: {  	[tilespmem:s28], [sflag:$0x1] =	stream.indirect_vreg.gather [hbm4b:s3+s2], $0x80, v3, vm0, $0xb8;
	[tilespmem:$0x8080] =	vst v63  }
0x3d: {  	_ = 	snop  }
0x3e: {  	[tilespmem:s29], [sflag:$0x1] =	stream.indirect_vreg.gather [hbm4b:s4+s2], $0x80, v3, vm0, $0xb8;
	[tilespmem:$0x8080] =	vst v63  }
0x3f: {  	_ = 	snop  }
0x40: {  	[tilespmem:s30], [sflag:$0x1] =	stream.indirect_vreg.gather [hbm4b:s5+s2], $0x80, v3, vm0, $0xb8;
	[tilespmem:$0x8080] =	vst v63  }
0x41: {  	_ = 	snop  }
0x42: {  	[tilespmem:s31], [sflag:$0x1] =	stream.indirect_vreg.gather [hbm4b:s6+s2], $0x80, v3, vm0, $0xb8;
	[tilespmem:$0x8080] =	vst v63  }
0x43: {  	_ =	swait.ge [sflag:s0], $0x8000  }
0x44: {  	[sflag:s0] =	ssyncset.done $0x0  }
0x45: {  	s1 =	rddreg [dreg:$0x4];
	[sflag:s0] =	ssyncadd.s32 $0xFFFF8000  }
0x46: {  	[hbm4b:s1+s2] =	stream.linear.scatter [tilespmem:s15], [sflag:$0x2], $0x8000, $0x38;
	[tilespmem:$0x8080] =	vst v63  }
0x47: {  	_ =	swait.ge [sflag:s14], $0x8000  }
0x48: {  	[sflag:s14] =	ssyncset.done $0x0  }
0x49: {  	[sflag:s14] =	ssyncadd.s32 $0xFFFF8000  }
0x4a: {  	[tilespmem:s2], [sflag:$0x2] =	stream.linear.gather [hbm4b:s7+s2], $0x20, $0x38;
	[tilespmem:$0x8080] =	vst v63  }
0x4b: {  	_ =	swait.ge [sflag:s14], $0x20  }
0x4c: {  	[sflag:s14] =	ssyncset.done $0x0  }
0x4d: {  	[sflag:s14] =	ssyncadd.s32 $0xFFFFFFE0  }
0x4e: {  	v3 =	vld [tilespmem:$0x0];
	_ =	sdelay $0x4  }
0x4f: {  	v58 =	vshll.u32 v3, $0x3  }
0x50: {  	v3 =	vand.u32 $0x7, v3;
	v4 =	vand.u32 $0xFFFFFFC0, v58  }
0x51: {  	v3 =	vor.u32 v3, v4  }
0x52: {  	v4 =	vperm.xlane v3, v0;
	_ =	sdelay $0x1  }
0x53: {  	v4 =	vadd.s32 v1, v4;
	_ =	sdelay $0x4  }
0x54: {  	[tilespmem:s15], [sflag:$0x1] =	stream.indirect_vreg.gather [hbm4b:s3+s2], $0x80, v4, vm0, $0xb8;
	[tilespmem:$0x8080] =	vst v63  }
0x55: {  	v3 =	vperm.xlane v3, v2  }
0x56: {  	[tilespmem:s16], [sflag:$0x1] =	stream.indirect_vreg.gather [hbm4b:s4+s2], $0x80, v4, vm0, $0xb8;
	[tilespmem:$0x8080] =	vst v63  }
0x57: {  	v3 =	vadd.s32 v1, v3  }
0x58: {  	[tilespmem:s17], [sflag:$0x1] =	stream.indirect_vreg.gather [hbm4b:s5+s2], $0x80, v4, vm0, $0xb8;
	[tilespmem:$0x8080] =	vst v63  }
0x59: {  	_ = 	snop  }
0x5a: {  	[tilespmem:s18], [sflag:$0x1] =	stream.indirect_vreg.gather [hbm4b:s6+s2], $0x80, v4, vm0, $0xb8;
	[tilespmem:$0x8080] =	vst v63  }
0x5b: {  	_ = 	snop  }
0x5c: {  	[tilespmem:s19], [sflag:$0x1] =	stream.indirect_vreg.gather [hbm4b:s3+s2], $0x80, v3, vm0, $0xb8;
	[tilespmem:$0x8080] =	vst v63  }
0x5d: {  	_ = 	snop  }
0x5e: {  	[tilespmem:s20], [sflag:$0x1] =	stream.indirect_vreg.gather [hbm4b:s4+s2], $0x80, v3, vm0, $0xb8;
	[tilespmem:$0x8080] =	vst v63  }
0x5f: {  	_ = 	snop  }
0x60: {  	[tilespmem:s21], [sflag:$0x1] =	stream.indirect_vreg.gather [hbm4b:s5+s2], $0x80, v3, vm0, $0xb8;
	[tilespmem:$0x8080] =	vst v63  }
0x61: {  	_ = 	snop  }
0x62: {  	[tilespmem:s22], [sflag:$0x1] =	stream.indirect_vreg.gather [hbm4b:s6+s2], $0x80, v3, vm0, $0xb8;
	[tilespmem:$0x8080] =	vst v63  }
0x63: {  	v3 =	vld [tilespmem:$0x10];
	_ =	sdelay $0x4  }
0x64: {  	v59 =	vshll.u32 v3, $0x3  }
0x65: {  	v3 =	vand.u32 $0x7, v3;
	v4 =	vand.u32 $0xFFFFFFC0, v59  }
0x66: {  	v3 =	vor.u32 v3, v4  }
0x67: {  	v4 =	vperm.xlane v3, v0;
	_ =	sdelay $0x1  }
0x68: {  	v4 =	vadd.s32 v1, v4;
	_ =	sdelay $0x4  }
0x69: {  	[tilespmem:s23], [sflag:$0x1] =	stream.indirect_vreg.gather [hbm4b:s3+s2], $0x80, v4, vm0, $0xb8;
	[tilespmem:$0x8080] =	vst v63  }
0x6a: {  	v3 =	vperm.xlane v3, v2  }
0x6b: {  	[tilespmem:s24], [sflag:$0x1] =	stream.indirect_vreg.gather [hbm4b:s4+s2], $0x80, v4, vm0, $0xb8;
	[tilespmem:$0x8080] =	vst v63  }
0x6c: {  	v3 =	vadd.s32 v1, v3  }
0x6d: {  	[tilespmem:s25], [sflag:$0x1] =	stream.indirect_vreg.gather [hbm4b:s5+s2], $0x80, v4, vm0, $0xb8;
	[tilespmem:$0x8080] =	vst v63  }
0x6e: {  	_ = 	snop  }
0x6f: {  	[tilespmem:s26], [sflag:$0x1] =	stream.indirect_vreg.gather [hbm4b:s6+s2], $0x80, v4, vm0, $0xb8;
	[tilespmem:$0x8080] =	vst v63  }
0x70: {  	_ = 	snop  }
0x71: {  	[tilespmem:s28], [sflag:$0x1] =	stream.indirect_vreg.gather [hbm4b:s3+s2], $0x80, v3, vm0, $0xb8;
	[tilespmem:$0x8080] =	vst v63  }
0x72: {  	_ = 	snop  }
0x73: {  	[tilespmem:s29], [sflag:$0x1] =	stream.indirect_vreg.gather [hbm4b:s4+s2], $0x80, v3, vm0, $0xb8;
	[tilespmem:$0x8080] =	vst v63  }
0x74: {  	_ = 	snop  }
0x75: {  	[tilespmem:s30], [sflag:$0x1] =	stream.indirect_vreg.gather [hbm4b:s5+s2], $0x80, v3, vm0, $0xb8;
	[tilespmem:$0x8080] =	vst v63  }
0x76: {  	_ = 	snop  }
0x77: {  	[tilespmem:s31], [sflag:$0x1] =	stream.indirect_vreg.gather [hbm4b:s6+s2], $0x80, v3, vm0, $0xb8;
	[tilespmem:$0x8080] =	vst v63  }
0x78: {  	_ =	swait.ge [sflag:s0], $0x8000  }
0x79: {  	[sflag:s0] =	ssyncset.done $0x0  }
0x7a: {  	[sflag:s0] =	ssyncadd.s32 $0xFFFF8000  }
0x7b: {  	[hbm4b:s8+s2] =	stream.linear.scatter [tilespmem:s15], [sflag:$0x2], $0x8000, $0x38;
	[tilespmem:$0x8080] =	vst v63  }
0x7c: {  	_ =	swait.ge [sflag:s14], $0x8000  }
0x7d: {  	[sflag:s14] =	ssyncset.done $0x0  }
0x7e: {  	[sflag:s14] =	ssyncadd.s32 $0xFFFF8000  }
0x7f: {  	[tilespmem:s2], [sflag:$0x2] =	stream.linear.gather [hbm4b:s9+s2], $0x20, $0x38;
	[tilespmem:$0x8080] =	vst v63  }
0x80: {  	_ =	swait.ge [sflag:s14], $0x20  }
0x81: {  	[sflag:s14] =	ssyncset.done $0x0  }
0x82: {  	[sflag:s14] =	ssyncadd.s32 $0xFFFFFFE0  }
0x83: {  	v3 =	vld [tilespmem:$0x0];
	_ =	sdelay $0x4  }
0x84: {  	v60 =	vshll.u32 v3, $0x3  }
0x85: {  	v3 =	vand.u32 $0x7, v3;
	v4 =	vand.u32 $0xFFFFFFC0, v60  }
0x86: {  	v3 =	vor.u32 v3, v4  }
0x87: {  	v4 =	vperm.xlane v3, v0;
	_ =	sdelay $0x1  }
0x88: {  	v4 =	vadd.s32 v1, v4;
	_ =	sdelay $0x4  }
0x89: {  	[tilespmem:s15], [sflag:$0x1] =	stream.indirect_vreg.gather [hbm4b:s3+s2], $0x80, v4, vm0, $0xb8;
	[tilespmem:$0x8080] =	vst v63  }
0x8a: {  	v3 =	vperm.xlane v3, v2  }
0x8b: {  	[tilespmem:s16], [sflag:$0x1] =	stream.indirect_vreg.gather [hbm4b:s4+s2], $0x80, v4, vm0, $0xb8;
	[tilespmem:$0x8080] =	vst v63  }
0x8c: {  	v3 =	vadd.s32 v1, v3  }
0x8d: {  	[tilespmem:s17], [sflag:$0x1] =	stream.indirect_vreg.gather [hbm4b:s5+s2], $0x80, v4, vm0, $0xb8;
	[tilespmem:$0x8080] =	vst v63  }
0x8e: {  	_ = 	snop  }
0x8f: {  	[tilespmem:s18], [sflag:$0x1] =	stream.indirect_vreg.gather [hbm4b:s6+s2], $0x80, v4, vm0, $0xb8;
	[tilespmem:$0x8080] =	vst v63  }
0x90: {  	_ = 	snop  }
0x91: {  	[tilespmem:s19], [sflag:$0x1] =	stream.indirect_vreg.gather [hbm4b:s3+s2], $0x80, v3, vm0, $0xb8;
	[tilespmem:$0x8080] =	vst v63  }
0x92: {  	_ = 	snop  }
0x93: {  	[tilespmem:s20], [sflag:$0x1] =	stream.indirect_vreg.gather [hbm4b:s4+s2], $0x80, v3, vm0, $0xb8;
	[tilespmem:$0x8080] =	vst v63  }
0x94: {  	_ = 	snop  }
0x95: {  	[tilespmem:s21], [sflag:$0x1] =	stream.indirect_vreg.gather [hbm4b:s5+s2], $0x80, v3, vm0, $0xb8;
	[tilespmem:$0x8080] =	vst v63  }
0x96: {  	_ = 	snop  }
0x97: {  	[tilespmem:s22], [sflag:$0x1] =	stream.indirect_vreg.gather [hbm4b:s6+s2], $0x80, v3, vm0, $0xb8;
	[tilespmem:$0x8080] =	vst v63  }
0x98: {  	v3 =	vld [tilespmem:$0x10];
	_ =	sdelay $0x4  }
0x99: {  	v61 =	vshll.u32 v3, $0x3  }
0x9a: {  	v3 =	vand.u32 $0x7, v3;
	v4 =	vand.u32 $0xFFFFFFC0, v61  }
0x9b: {  	v3 =	vor.u32 v3, v4  }
0x9c: {  	v4 =	vperm.xlane v3, v0;
	_ =	sdelay $0x1  }
0x9d: {  	v4 =	vadd.s32 v1, v4;
	_ =	sdelay $0x4  }
0x9e: {  	[tilespmem:s23], [sflag:$0x1] =	stream.indirect_vreg.gather [hbm4b:s3+s2], $0x80, v4, vm0, $0xb8;
	[tilespmem:$0x8080] =	vst v63  }
0x9f: {  	v3 =	vperm.xlane v3, v2  }
0xa0: {  	[tilespmem:s24], [sflag:$0x1] =	stream.indirect_vreg.gather [hbm4b:s4+s2], $0x80, v4, vm0, $0xb8;
	[tilespmem:$0x8080] =	vst v63  }
0xa1: {  	v3 =	vadd.s32 v1, v3  }
0xa2: {  	[tilespmem:s25], [sflag:$0x1] =	stream.indirect_vreg.gather [hbm4b:s5+s2], $0x80, v4, vm0, $0xb8;
	[tilespmem:$0x8080] =	vst v63  }
0xa3: {  	_ = 	snop  }
0xa4: {  	[tilespmem:s26], [sflag:$0x1] =	stream.indirect_vreg.gather [hbm4b:s6+s2], $0x80, v4, vm0, $0xb8;
	[tilespmem:$0x8080] =	vst v63  }
0xa5: {  	_ = 	snop  }
0xa6: {  	[tilespmem:s28], [sflag:$0x1] =	stream.indirect_vreg.gather [hbm4b:s3+s2], $0x80, v3, vm0, $0xb8;
	[tilespmem:$0x8080] =	vst v63  }
0xa7: {  	_ = 	snop  }
0xa8: {  	[tilespmem:s29], [sflag:$0x1] =	stream.indirect_vreg.gather [hbm4b:s4+s2], $0x80, v3, vm0, $0xb8;
	[tilespmem:$0x8080] =	vst v63  }
0xa9: {  	_ = 	snop  }
0xaa: {  	[tilespmem:s30], [sflag:$0x1] =	stream.indirect_vreg.gather [hbm4b:s5+s2], $0x80, v3, vm0, $0xb8;
	[tilespmem:$0x8080] =	vst v63  }
0xab: {  	_ = 	snop  }
0xac: {  	[tilespmem:s31], [sflag:$0x1] =	stream.indirect_vreg.gather [hbm4b:s6+s2], $0x80, v3, vm0, $0xb8;
	[tilespmem:$0x8080] =	vst v63  }
0xad: {  	_ =	swait.ge [sflag:s0], $0x8000  }
0xae: {  	[sflag:s0] =	ssyncset.done $0x0  }
0xaf: {  	[sflag:s0] =	ssyncadd.s32 $0xFFFF8000  }
0xb0: {  	[hbm4b:s10+s2] =	stream.linear.scatter [tilespmem:s15], [sflag:$0x2], $0x8000, $0x38;
	[tilespmem:$0x8080] =	vst v63  }
0xb1: {  	_ =	swait.ge [sflag:s14], $0x8000  }
0xb2: {  	[sflag:s14] =	ssyncset.done $0x0  }
0xb3: {  	[sflag:s14] =	ssyncadd.s32 $0xFFFF8000  }
0xb4: {  	[tilespmem:s2], [sflag:$0x2] =	stream.linear.gather [hbm4b:s11+s2], $0x20, $0x38;
	[tilespmem:$0x8080] =	vst v63  }
0xb5: {  	_ =	swait.ge [sflag:s14], $0x20  }
0xb6: {  	[sflag:s14] =	ssyncset.done $0x0  }
0xb7: {  	[sflag:s14] =	ssyncadd.s32 $0xFFFFFFE0  }
0xb8: {  	v3 =	vld [tilespmem:$0x0];
	_ =	sdelay $0x4  }
0xb9: {  	v62 =	vshll.u32 v3, $0x3  }
0xba: {  	v3 =	vand.u32 $0x7, v3;
	v4 =	vand.u32 $0xFFFFFFC0, v62  }
0xbb: {  	v3 =	vor.u32 v3, v4  }
0xbc: {  	v4 =	vperm.xlane v3, v0;
	_ =	sdelay $0x1  }
0xbd: {  	v4 =	vadd.s32 v1, v4;
	_ =	sdelay $0x4  }
0xbe: {  	[tilespmem:s15], [sflag:$0x1] =	stream.indirect_vreg.gather [hbm4b:s3+s2], $0x80, v4, vm0, $0xb8;
	[tilespmem:$0x8080] =	vst v63  }
0xbf: {  	v3 =	vperm.xlane v3, v2  }
0xc0: {  	[tilespmem:s16], [sflag:$0x1] =	stream.indirect_vreg.gather [hbm4b:s4+s2], $0x80, v4, vm0, $0xb8;
	[tilespmem:$0x8080] =	vst v63  }
0xc1: {  	v3 =	vadd.s32 v1, v3  }
0xc2: {  	[tilespmem:s17], [sflag:$0x1] =	stream.indirect_vreg.gather [hbm4b:s5+s2], $0x80, v4, vm0, $0xb8;
	[tilespmem:$0x8080] =	vst v63  }
0xc3: {  	_ = 	snop  }
0xc4: {  	[tilespmem:s18], [sflag:$0x1] =	stream.indirect_vreg.gather [hbm4b:s6+s2], $0x80, v4, vm0, $0xb8;
	[tilespmem:$0x8080] =	vst v63  }
0xc5: {  	_ = 	snop  }
0xc6: {  	[tilespmem:s19], [sflag:$0x1] =	stream.indirect_vreg.gather [hbm4b:s3+s2], $0x80, v3, vm0, $0xb8;
	[tilespmem:$0x8080] =	vst v63  }
0xc7: {  	_ = 	snop  }
0xc8: {  	[tilespmem:s20], [sflag:$0x1] =	stream.indirect_vreg.gather [hbm4b:s4+s2], $0x80, v3, vm0, $0xb8;
	[tilespmem:$0x8080] =	vst v63  }
0xc9: {  	_ = 	snop  }
0xca: {  	[tilespmem:s21], [sflag:$0x1] =	stream.indirect_vreg.gather [hbm4b:s5+s2], $0x80, v3, vm0, $0xb8;
	[tilespmem:$0x8080] =	vst v63  }
0xcb: {  	_ = 	snop  }
0xcc: {  	[tilespmem:s22], [sflag:$0x1] =	stream.indirect_vreg.gather [hbm4b:s6+s2], $0x80, v3, vm0, $0xb8;
	[tilespmem:$0x8080] =	vst v63  }
0xcd: {  	v3 =	vld [tilespmem:$0x10];
	_ =	sdelay $0x4  }
0xce: {  	v63 =	vshll.u32 v3, $0x3  }
0xcf: {  	v3 =	vand.u32 $0x7, v3;
	v4 =	vand.u32 $0xFFFFFFC0, v63  }
0xd0: {  	v3 =	vor.u32 v3, v4  }
0xd1: {  	v4 =	vperm.xlane v3, v0;
	_ =	sdelay $0x1  }
0xd2: {  	v4 =	vadd.s32 v1, v4;
	_ =	sdelay $0x4  }
0xd3: {  	[tilespmem:s23], [sflag:$0x1] =	stream.indirect_vreg.gather [hbm4b:s3+s2], $0x80, v4, vm0, $0xb8;
	[tilespmem:$0x8080] =	vst v63  }
0xd4: {  	v3 =	vperm.xlane v3, v2  }
0xd5: {  	[tilespmem:s24], [sflag:$0x1] =	stream.indirect_vreg.gather [hbm4b:s4+s2], $0x80, v4, vm0, $0xb8;
	[tilespmem:$0x8080] =	vst v63  }
0xd6: {  	v3 =	vadd.s32 v1, v3  }
0xd7: {  	[tilespmem:s25], [sflag:$0x1] =	stream.indirect_vreg.gather [hbm4b:s5+s2], $0x80, v4, vm0, $0xb8;
	[tilespmem:$0x8080] =	vst v63  }
0xd8: {  	_ = 	snop  }
0xd9: {  	[tilespmem:s26], [sflag:$0x1] =	stream.indirect_vreg.gather [hbm4b:s6+s2], $0x80, v4, vm0, $0xb8;
	[tilespmem:$0x8080] =	vst v63  }
0xda: {  	_ = 	snop  }
0xdb: {  	[tilespmem:s28], [sflag:$0x1] =	stream.indirect_vreg.gather [hbm4b:s3+s2], $0x80, v3, vm0, $0xb8;
	[tilespmem:$0x8080] =	vst v63  }
0xdc: {  	_ = 	snop  }
0xdd: {  	[tilespmem:s29], [sflag:$0x1] =	stream.indirect_vreg.gather [hbm4b:s4+s2], $0x80, v3, vm0, $0xb8;
	[tilespmem:$0x8080] =	vst v63  }
0xde: {  	_ = 	snop  }
0xdf: {  	[tilespmem:s30], [sflag:$0x1] =	stream.indirect_vreg.gather [hbm4b:s5+s2], $0x80, v3, vm0, $0xb8;
	[tilespmem:$0x8080] =	vst v63  }
0xe0: {  	_ = 	snop  }
0xe1: {  	[tilespmem:s31], [sflag:$0x1] =	stream.indirect_vreg.gather [hbm4b:s6+s2], $0x80, v3, vm0, $0xb8;
	[tilespmem:$0x8080] =	vst v63  }
0xe2: {  	_ =	swait.ge [sflag:s0], $0x8000  }
0xe3: {  	p0 =	sne.s32 s13, $0x1;
	[sflag:s0] =	ssyncset.done $0x0  }
.Ltmp0:
0xe4: {  	[sflag:s0] =	ssyncadd.s32 $0xFFFF8000;
	(pc) =	sbr.rel @p0 .LBB2_1-.Ltmp0, $4  }
0xe5: {  	[hbm4b:s12+s2] =	stream.linear.scatter [tilespmem:s15], [sflag:$0x2], $0x8000, $0x38;
	[tilespmem:$0x8080] =	vst v63  }
0xe6: {  	_ =	swait.ge [sflag:s14], $0x8000  }
0xe7: {  	[sflag:s14] =	ssyncset.done $0x0  }
0xe8: {  	s13 =	sadd.s32 $0xFFFFFFFF, s13;
	[sflag:s14] =	ssyncadd.s32 $0xFFFF8000  }
0xe9: {  	_ =	sfence.sel $0x180000  }
0xea: {  	[bflag:$0x0] =	sbarrier.arrive $0xFFFF  }
0xeb: {  	_ =	strace $0x9000004A  }
0xec: {  	s0 =	stileid.u32;
	[bflag:$0x2] =	sbarrier.arrive $0xFFFF  }
0xed: {  	p0 =	sne.s32 s0, $0x0;
	s0 =	rddreg [dreg:$0x2]  }
0xee: {  	s0 =	sadd.s32 @!p0 $0x100000, s0  }
0xef: {  	[sflag:s0] =	ssyncadd.tile.s32 @!p0 $0x1;
	_ =	shalt  }
.Lfunc_end2:
_tile_overlayer_lowered:
.L_overlay_start_2:
0xf0: {  	(tag) =	ssettag $0x2  }
0xf1: {  	s0 =	rddreg [dreg:$0x0];
	s2 =	stileid.u32  }
0xf2: {  	s1 =	rddreg [dreg:$0x1];
	p0 =	sne.s32 s2, $0x0  }
0xf3: {  	s3 =	rddreg [dreg:$0x2];
	[bflag:$0x3] =	sbarrier.arrive $0xFFFF;
	s2 =	simm.s32 @!p0 $0x1C02  }
0xf4: {  	[timem:s3], [sflag:s2] =	dma.local @!p0 [hbm:s0], s1  }
0xf5: {  	s0 =	simm.s32 @!p0 $0x2  }
0xf6: {  	_ =	swait.ge @!p0 [sflag:s0], s1  }
0xf7: {  	s1 =	ssub.s32 @!p0 $0x0, s1;
	[sflag:s0] =	ssyncset.done @!p0 $0x0  }
0xf8: {  	[sflag:s0] =	ssyncadd.s32 @!p0 s1  }
0xf9: {  	[bflag:$0x3] =	sbarrier.arrive $0xFFFF  }
0xfa: {  	_ =	shalt  }

// kernel: kernel.7.cloned.1.call-start
scs
__scs_entry_jumppad:
0x0: {  	(pc) =	sbr.rel $0x88, $3  }
0x1: {  	(tag) =	ssettag $0x0;
	lr =	simm.s32 $0x1  }
0x2: {  	[smem:$0x3F96] =	sst lr;
	_ =	strace $0xD0000000  }
0x3: {  	_ = 	snop  }
0x4: {  	_ = 	snop  }
0x5: {  	_ = 	snop  }
0x6: {  	_ = 	snop  }
0x7: {  	_ = 	snop  }
__scs_overlays_trampoline_lowered:
0x8: {  	[smem:$0x3FA5] =	sst s0  }
0x9: {  	[smem:$0x3FA6] =	sst s1  }
0xa: {  	[smem:$0x3FA7] =	sst s2  }
0xb: {  	[smem:$0x3FA8] =	sst s3  }
0xc: {  	[smem:$0x3FA9] =	sst s4  }
0xd: {  	[smem:$0x3FAA] =	sst s5  }
0xe: {  	[smem:$0x3FAB] =	sst s6  }
0xf: {  	[smem:$0x3FAC] =	sst s7  }
0x10: {  	[smem:$0x3FAD] =	sst s8  }
0x11: {  	[smem:$0x3FAE] =	sst s9;
	s0 =	simm.s32 @!p0 $0x0  }
0x12: {  	s1 =	sld [smem:$0x3F94];
	s0 =	simm.s32 @p0 $0x1  }
0x13: {  	[smem:$0x3FAF] =	sst s0;
	s0 =	simm.s32 @!p1 $0x0  }
0x14: {  	s2 =	sld [smem:$0x3F93];
	s0 =	simm.s32 @p1 $0x1  }
0x15: {  	[smem:$0x3FB0] =	sst s0;
	s0 =	simm.s32 @!p2 $0x0  }
0x16: {  	s3 =	sld [smem:$0x3FDB];
	s0 =	simm.s32 @p2 $0x1  }
0x17: {  	s4 =	simm.s32 $0x1BF5;
	[smem:$0x3FB2] =	sst s0  }
0x18: {  	s0 =	sld [smem:$0x3F95];
	_ =	swait.ge [sflag:s4], $0x0  }
0x19: {  	s7 =	sld [smem:$0x3F96]  }
0x1a: {  	s8 =	sadd.s32 $0xFFFFE003, lr  }
0x1b: {  	s9 =	sadd.s32 $0xFFFFFEF7, lr;
	s5 =	simm.s32 $0xFFFFFFFF;
	p2 =	slt.u32 s8, $0xFFFFF086  }
0x1c: {  	p1 =	slt.u32 s9, $0xF7A;
	s5 =	simm.s32 @!p2 $0x0  }
0x1d: {  	s5 =	simm.s32 @p1 $0x1;
	p0 =	seq.s32 s7, s2  }
0x1e: {  	s7 =	smul.u32 @!p0 $0xF7A, s2;
	p2 =	seq.s32 @!p0 s5, $0x0  }
0x1f: {  	s9 =	smul.u32 $0xF7A, s1;
	s8 =	simm.s32 @!p0 $0x1BF5;
	p2 =	por !p2, p0  }
0x20: {  	[sflag:s8] =	ssyncset.s32 @!p0 $0xFFFFF086;
	s6 =	sadd.s32 @!p0 s3, s7;
	s7 =	simm.s32 @!p0 $0x108  }
0x21: {  	s3 =	sadd.s32 s3, s9;
	s6 =	sadd.s32 @!p0 $0x88, s6;
	s7 =	simm.s32 @p2 $0x1082  }
0x22: {  	[simem:s7], [sflag:s8] =	dma.local @!p0 [hbm:s6], $0xF7A  }
0x23: {  	s9 =	sor.u32 $0xD0000000, s2;
	s6 =	simm.s32 $0x108;
	_ =	swait.ge @!p0 [sflag:s8], $0x0  }
0x24: {  	s3 =	sadd.s32 $0x88, s3;
	s6 =	simm.s32 @!p1 $0x1082;
	[sflag:s4] =	ssyncset.s32 $0xFFFFF086  }
0x25: {  	[simem:s6], [sflag:s4] =	dma.local [hbm:s3], $0xF7A  }
0x26: {  	[smem:$0x3F96] =	sst s1;
	(tag) =	ssettag s2;
	_ =	strace s9  }
0x27: {  	s1 =	sld [smem:$0x3FA6]  }
0x28: {  	s2 =	sld [smem:$0x3FA7]  }
0x29: {  	s4 =	sld [smem:$0x3FA9]  }
0x2a: {  	p0 =	seq.s32 s5, $0x0;
	s5 =	sld [smem:$0x3FAA]  }
0x2b: {  	s6 =	sld [smem:$0x3FAB]  }
0x2c: {  	s7 =	sld [smem:$0x3FAC]  }
0x2d: {  	s3 =	simm.s32 $0x108;
	s8 =	sld [smem:$0x3FAD]  }
0x2e: {  	s3 =	simm.s32 @!p0 $0x1082;
	s9 =	sld [smem:$0x3FAE]  }
0x2f: {  	lr =	sadd.s32 s0, s3;
	s0 =	sld [smem:$0x3FA5]  }
0x30: {  	s3 =	sld [smem:$0x3FA8]  }
0x31: {  	[smem:$0x3FB1] =	sst s10  }
0x32: {  	s10 =	sld [smem:$0x3FAF];
	_ =	sdelay $0x3  }
0x33: {  	p0 =	seq.s32 s10, $0x1;
	s10 =	sld [smem:$0x3FB1];
	_ =	sdelay $0x3  }
0x34: {  	[smem:$0x3FB1] =	sst s10  }
0x35: {  	s10 =	sld [smem:$0x3FB0];
	_ =	sdelay $0x3  }
0x36: {  	p1 =	seq.s32 s10, $0x1;
	s10 =	sld [smem:$0x3FB1];
	_ =	sdelay $0x3  }
0x37: {  	[smem:$0x3FB1] =	sst s10  }
0x38: {  	s10 =	sld [smem:$0x3FB2]  }
0x39: {  	_ = 	snop;
	(pc) =	sbr.ind lr, $3  }
0x3a: {  	_ = 	snop  }
0x3b: {  	_ = 	snop  }
0x3c: {  	p2 =	seq.s32 s10, $0x1;
	s10 =	sld [smem:$0x3FB1]  }
0x3d: {  	_ =	shalt  }
0x3e: {  	_ =	shalt  }
0x3f: {  	_ =	shalt  }
0x40: {  	_ =	shalt  }
0x41: {  	_ =	shalt  }
0x42: {  	_ =	shalt  }
0x43: {  	_ =	shalt  }
0x44: {  	_ =	shalt  }
0x45: {  	_ =	shalt  }
0x46: {  	_ =	shalt  }
0x47: {  	_ =	shalt  }
0x48: {  	_ =	shalt  }
0x49: {  	_ =	shalt  }
0x4a: {  	_ =	shalt  }
0x4b: {  	_ =	shalt  }
0x4c: {  	_ =	shalt  }
0x4d: {  	_ =	shalt  }
0x4e: {  	_ =	shalt  }
0x4f: {  	_ =	shalt  }
0x50: {  	_ =	shalt  }
0x51: {  	_ =	shalt  }
0x52: {  	_ =	shalt  }
0x53: {  	_ =	shalt  }
0x54: {  	_ =	shalt  }
0x55: {  	_ =	shalt  }
0x56: {  	_ =	shalt  }
0x57: {  	_ =	shalt  }
0x58: {  	_ =	shalt  }
0x59: {  	_ =	shalt  }
0x5a: {  	_ =	shalt  }
0x5b: {  	_ =	shalt  }
0x5c: {  	_ =	shalt  }
0x5d: {  	_ =	shalt  }
0x5e: {  	_ =	shalt  }
0x5f: {  	_ =	shalt  }
0x60: {  	_ =	shalt  }
0x61: {  	_ =	shalt  }
0x62: {  	_ =	shalt  }
0x63: {  	_ =	shalt  }
0x64: {  	_ =	shalt  }
0x65: {  	_ =	shalt  }
0x66: {  	_ =	shalt  }
0x67: {  	_ =	shalt  }
0x68: {  	_ =	shalt  }
0x69: {  	_ =	shalt  }
0x6a: {  	_ =	shalt  }
0x6b: {  	_ =	shalt  }
0x6c: {  	_ =	shalt  }
0x6d: {  	_ =	shalt  }
0x6e: {  	_ =	shalt  }
0x6f: {  	_ =	shalt  }
0x70: {  	_ =	shalt  }
0x71: {  	_ =	shalt  }
0x72: {  	_ =	shalt  }
0x73: {  	_ =	shalt  }
0x74: {  	_ =	shalt  }
0x75: {  	_ =	shalt  }
0x76: {  	_ =	shalt  }
0x77: {  	_ =	shalt  }
0x78: {  	_ =	shalt  }
0x79: {  	_ =	shalt  }
0x7a: {  	_ =	shalt  }
0x7b: {  	_ =	shalt  }
0x7c: {  	_ =	shalt  }
0x7d: {  	_ =	shalt  }
0x7e: {  	_ =	shalt  }
0x7f: {  	_ =	shalt  }
0x80: {  	_ =	shalt  }
0x81: {  	_ =	shalt  }
0x82: {  	_ =	shalt  }
0x83: {  	_ =	shalt  }
0x84: {  	_ =	shalt  }
0x85: {  	_ =	shalt  }
0x86: {  	_ =	shalt  }
0x87: {  	_ =	shalt  }
.Lfunc_end0:
.L_simem_size_0:
called_computation_lowered:
.L_overlay_start_0:
0x88: {  	s2 =	sld [smem:$0x3FD9]  }
0x89: {  	s3 =	sld [smem:$0x3FFE];
	_ =	sdelay $0x1  }
0x8a: {  	s1 =	srdreg.scid  }
0x8b: {  	s0 =	sand.u32 $0x1, s1  }
0x8c: {  	s17 =	sshll.u32 s0, $0xA;
	s2 =	sadd.s32 s3, s2  }
0x8d: {  	s2 =	sadd.s32 s2, s17  }
0x8e: {  	[smem:$0x3FBD] =	sst s2  }
0x8f: {  	_ = 	snop  }
0x90: {  	s2 =	sld [smem:$0x3FD0];
	(tm) =	ssettm $0x1  }
0x91: {  	s18 =	sld [smem:$0x3FFB];
	_ =	sdelay $0x3  }
0x92: {  	_ =	strace s18  }
0x93: {  	s3 =	sld [smem:$0x3FFC];
	_ =	sdelay $0x3  }
0x94: {  	_ =	strace s3  }
0x95: {  	s3 =	sld [smem:$0x3FFD];
	_ =	sdelay $0x3  }
0x96: {  	_ =	strace s3  }
0x97: {  	_ =	strace $0x8FFFFFFF  }
0x98: {  	s19 =	sld [smem:$0x3FDB];
	_ =	sdelay $0x1  }
0x99: {  	s4 =	simm.s32 $_scs_section_size  }
0x9a: {  	s5 =	simm.s32 $_size__tile_overlayer_lowered;
	s6 =	simm.s32 $_tile_overlayer_lowered  }
0x9b: {  	s22 =	simm.s32 $0x1BFF;
	s21 =	sshll.u32 s6, $0x1;
	s3 =	sadd.s32 s4, s19  }
0x9c: {  	s7 =	simm.s32 $0x0;
	s20 =	sshll.u32 s5, $0x1;
	s5 =	sadd.s32 s21, s3  }
0x9d: {  	[timem:s7], [sflag:s22] =	dma.local [hbm:s5], s20  }
0x9e: {  	_ =	swait.ge [sflag:s22], s20  }
0x9f: {  	s4 =	ssub.s32 $0x0, s20;
	[sflag:s22] =	ssyncset.done $0x0  }
0xa0: {  	[sflag:s22] =	ssyncadd.s32 s4;
	_ =	sdelay $0x1  }
0xa1: {  	s23 =	simm.s32 $0x1B8B  }
0xa2: {  	_ =	swait.ge [sflag:s23], $0x1  }
0xa3: {  	[sflag:s23] =	ssyncset.done $0x0  }
0xa4: {  	s25 =	simm.s32 $0x1B8E;
	s24 =	sld [smem:$0x3FFE];
	[sflag:s23] =	ssyncadd.s32 $0xFFFFFFFF  }
0xa5: {  	s26 =	simm.s32 $execute0_lowered;
	[smem:$0x3FD2] =	sst s25  }
0xa6: {  	s5 =	sshll.u32 s26, $0x1;
	_ =	strace $0x80000046;
	[dreg:$0x1] =	wrdreg $0xFFFFFFFF  }
0xa7: {  	s28 =	simm.s32 $_size_execute0_lowered;
	s3 =	sadd.s32 s3, s5;
	[dreg:$0x0] =	wrdreg $0x0  }
0xa8: {  	s5 =	sshll.u32 s28, $0x1;
	[dreg:$0x2] =	wrdreg s3  }
0xa9: {  	[dreg:$0x3] =	wrdreg s5  }
0xaa: {  	[dreg:$0x4] =	wrdreg $0xC0  }
0xab: {  	_ =	task [dreg:s7], $0x5FFFF  }
0xac: {  	[dreg:$0x1] =	wrdreg $0xFFFFFFFF  }
0xad: {  	[dreg:$0x0] =	wrdreg $0x60  }
0xae: {  	[dreg:$0x2] =	wrdreg s2  }
0xaf: {  	[dreg:$0x3] =	wrdreg s24  }
0xb0: {  	[dreg:$0x4] =	wrdreg $0x9  }
0xb1: {  	_ =	task.clear_ibuf [dreg:s7], $0x5FFFF;
	_ =	strace $0x90000046  }
0xb2: {  	s29 =	simm.s32 $0x9;
	_ =	strace $0x80000048  }
0xb3: {  	_ =	swait.ge [sflag:s29], $0x1  }
0xb4: {  	[sflag:s29] =	ssyncadd.s32 $0xFFFFFFFF  }
0xb5: {  	_ =	strace $0x90000048  }
0xb6: {  	_ =	sfence  }
0xb7: {  	s30 =	sld [smem:$0x0];
	_ =	sdelay $0x2  }
0xb8: {  	s31 =	sshll.u32 s1, $0xD;
	s1 =	sshrl.u32 s1, $0x2  }
0xb9: {  	s3 =	sand.u32 $0x4000, s31;
	s1 =	sadd.s32 s1, s30  }
0xba: {  	s0 =	sor.u32 s3, s0;
	s1 =	sshll.u32 s1, $0x11  }
0xbb: {  	s0 =	sor.u32 s1, s0  }
0xbc: {  	s0 =	sadd.s32 $0x8F2B, s0  }
0xbd: {  	[sflag:s0] =	ssyncadd.remote.s32 $0x1  }
0xbe: {  	_ =	sfence.sel $0xFFFF  }
0xbf: {  	[dreg:$0x0] =	wrdreg $0xFFFFFFFF;
	(pc) =	sbr.abs _section_cstart, $3  }
0xc0: {  	[dreg:$0x1] =	wrdreg $0xFFFFFFFF  }
0xc1: {  	_ =	task.clear_ibuf [dreg:s7], $0x2FFFF;
	_ =	strace $0x9FFFFFFF  }
0xc2: {  	(tm) =	ssettm $0x7FFFFFFF  }
0xc3: {  	_ =	shalt  }
tec
execute0_lowered:
.L_overlay_start_1:
0x0: {  	(tag) =	ssettag $0x1  }
0x1: {  	s0 =	srdreg.scid;
	s1 =	rddreg [dreg:$0x0]  }
0x2: {  	s2 =	stileid.u32;
	s6 =	rddreg [dreg:$0x1];
	s26 =	simm.s32 $0x80  }
0x3: {  	s8 =	simm.s32 $0x2;
	s18 =	simm.s32 $0x1;
	s21 =	simm.s32 $0x1900  }
0x4: {  	s22 =	simm.s32 $0x2100;
	s23 =	simm.s32 $0x2900;
	s24 =	simm.s32 $0x3100  }
0x5: {  	s28 =	simm.s32 $0x4900;
	s29 =	simm.s32 $0x5100;
	s30 =	simm.s32 $0x5900  }
0x6: {  	s31 =	simm.s32 $0x6100;
	s10 =	simm.s32 $0x7900;
	s11 =	simm.s32 $0x8100  }
0x7: {  	s12 =	simm.s32 $0x8900;
	s13 =	simm.s32 $0x9100;
	s14 =	simm.s32 $0x9900  }
0x8: {  	s15 =	simm.s32 $0xA100;
	s16 =	simm.s32 $0xA900;
	s17 =	simm.s32 $0xB100  }
0x9: {  	s0 =	sand.u32 $0x1, s0;
	s3 =	sshll.u32 s2, $0x7;
	s2 =	simm.s32 $0x0  }
0xa: {  	s4 =	sshll.u32 s0, $0x6;
	[smem:$0x7FF] =	sst s2;
	s0 =	ssub.s32 $0x2, s0  }
0xb: {  	s4 =	sor.u32 s4, s3;
	_ =	strace $0x80000047;
	s25 =	sshrl.u32 s0, $0x1  }
0xc: {  	[dreg:$0x6] =	wrdreg s26;
	s3 =	sshrl.u32 s4, $0x3;
	s4 =	sshll.u32 s4, $0x7  }
0xd: {  	s26 =	simm.s32 $0x4100;
	s5 =	sadd.s32 s3, s6;
	s1 =	sadd.s32 s1, s4  }
0xe: {  	s0 =	ssub.s32 s0, s25;
	s7 =	sadd.s32 $0x1C00, s5;
	[dreg:$0x5] =	wrdreg s1  }
0xf: {  	v2 =	vlaneseq.u32;
	s25 =	simm.s32 $0x3900;
	s5 =	sadd.s32 $0x1A00, s5;
	[dreg:$0x3] =	wrdreg s7  }
0x10: {  	vm0 =	vmmov $0xffff;
	v1 =	vshrl.u32 v2, $0x3;
	s3 =	sadd.s32 $0x1E00, s6;
	s4 =	sadd.s32 $0x1F00, s6;
	[dreg:$0x4] =	wrdreg s5  }
0x11: {  	v0 =	vand.u32 $0x7, v2;
	v2 =	vor.u32 $0x8, v2;
	v1 =	vmul.u32 $0x8, v1;
	s5 =	sadd.s32 $0x2000, s6;
	s6 =	sadd.s32 $0x2100, s6;
	s7 =	smax.u32 s0, $0x1  }
.LBB2_1:
0x12: {  	s19 =	rddreg [dreg:$0x3]  }
0x13: {  	[tilespmem:s2], [sflag:$0x2] =	stream.linear.gather [hbm4b:s19+s2], $0x40, $0x38;
	[tilespmem:$0x10100] =	vst v63  }
0x14: {  	_ =	swait.ge [sflag:s8], $0x40  }
0x15: {  	s1 =	rddreg [dreg:$0x4];
	[sflag:s8] =	ssyncset.done $0x0  }
0x16: {  	s20 =	rddreg [dreg:$0x6];
	[sflag:s8] =	ssyncadd.s32 $0xFFFFFFC0  }
0x17: {  	[tilespmem:s20], [sflag:$0x2] =	stream.linear.gather [hbm4b:s1+s2], $0x40, $0x38;
	[tilespmem:$0x10100] =	vst v63  }
0x18: {  	_ =	swait.ge [sflag:s8], $0x40  }
0x19: {  	[sflag:s8] =	ssyncset.done $0x0  }
0x1a: {  	s0 =	simm.s32 $0x100;
	s9 =	rddreg [dreg:$0x5];
	[sflag:s8] =	ssyncadd.s32 $0xFFFFFFC0  }
0x1b: {  	[tilespmem:s0], [sflag:$0x2] =	stream.linear.gather [hbm4b:s9+s2], $0x10000, $0x38;
	[tilespmem:$0x10100] =	vst v63  }
0x1c: {  	_ =	swait.ge [sflag:s8], $0x10000  }
0x1d: {  	[sflag:s8] =	ssyncset.done $0x0  }
0x1e: {  	[sflag:s8] =	ssyncadd.s32 $0xFFFF0000  }
0x1f: {  	v3 =	vld [tilespmem:$0x0];
	_ =	sdelay $0x4  }
0x20: {  	v4 =	vshll.u32 v3, $0x3  }
0x21: {  	v3 =	vand.u32 $0x7, v3;
	v4 =	vand.u32 $0xFFFFFFC0, v4  }
0x22: {  	v3 =	vor.u32 v3, v4  }
0x23: {  	v4 =	vperm.xlane v3, v0;
	_ =	sdelay $0x1  }
0x24: {  	v4 =	vadd.s32 v1, v4;
	_ =	sdelay $0x4  }
0x25: {  	[hbm4b:s3+s2] =	stream.indirect_vreg.scatter [tilespmem:s0], [sflag:$0x1], $0x80, v4, vm0, $0xb8;
	[tilespmem:$0x10100] =	vst v63  }
0x26: {  	s19 =	simm.s32 $0x900;
	v3 =	vperm.xlane v3, v2  }
0x27: {  	[hbm4b:s4+s2] =	stream.indirect_vreg.scatter [tilespmem:s19], [sflag:$0x1], $0x80, v4, vm0, $0xb8;
	[tilespmem:$0x10100] =	vst v63  }
0x28: {  	s20 =	simm.s32 $0x1100;
	v3 =	vadd.s32 v1, v3  }
0x29: {  	[hbm4b:s5+s2] =	stream.indirect_vreg.scatter [tilespmem:s20], [sflag:$0x1], $0x80, v4, vm0, $0xb8;
	[tilespmem:$0x10100] =	vst v63  }
0x2a: {  	_ = 	snop  }
0x2b: {  	[hbm4b:s6+s2] =	stream.indirect_vreg.scatter [tilespmem:s21], [sflag:$0x1], $0x80, v4, vm0, $0xb8;
	[tilespmem:$0x10100] =	vst v63  }
0x2c: {  	_ = 	snop  }
0x2d: {  	[hbm4b:s3+s2] =	stream.indirect_vreg.scatter [tilespmem:s22], [sflag:$0x1], $0x80, v3, vm0, $0xb8;
	[tilespmem:$0x10100] =	vst v63  }
0x2e: {  	_ = 	snop  }
0x2f: {  	[hbm4b:s4+s2] =	stream.indirect_vreg.scatter [tilespmem:s23], [sflag:$0x1], $0x80, v3, vm0, $0xb8;
	[tilespmem:$0x10100] =	vst v63  }
0x30: {  	_ = 	snop  }
0x31: {  	[hbm4b:s5+s2] =	stream.indirect_vreg.scatter [tilespmem:s24], [sflag:$0x1], $0x80, v3, vm0, $0xb8;
	[tilespmem:$0x10100] =	vst v63  }
0x32: {  	_ = 	snop  }
0x33: {  	[hbm4b:s6+s2] =	stream.indirect_vreg.scatter [tilespmem:s25], [sflag:$0x1], $0x80, v3, vm0, $0xb8;
	[tilespmem:$0x10100] =	vst v63  }
0x34: {  	v3 =	vld [tilespmem:$0x10];
	_ =	sdelay $0x4  }
0x35: {  	v57 =	vshll.u32 v3, $0x3  }
0x36: {  	v3 =	vand.u32 $0x7, v3;
	v4 =	vand.u32 $0xFFFFFFC0, v57  }
0x37: {  	v3 =	vor.u32 v3, v4  }
0x38: {  	v4 =	vperm.xlane v3, v0;
	_ =	sdelay $0x1  }
0x39: {  	v4 =	vadd.s32 v1, v4;
	_ =	sdelay $0x4  }
0x3a: {  	[hbm4b:s3+s2] =	stream.indirect_vreg.scatter [tilespmem:s26], [sflag:$0x1], $0x80, v4, vm0, $0xb8;
	[tilespmem:$0x10100] =	vst v63  }
0x3b: {  	v3 =	vperm.xlane v3, v2  }
0x3c: {  	[hbm4b:s4+s2] =	stream.indirect_vreg.scatter [tilespmem:s28], [sflag:$0x1], $0x80, v4, vm0, $0xb8;
	[tilespmem:$0x10100] =	vst v63  }
0x3d: {  	v3 =	vadd.s32 v1, v3  }
0x3e: {  	[hbm4b:s5+s2] =	stream.indirect_vreg.scatter [tilespmem:s29], [sflag:$0x1], $0x80, v4, vm0, $0xb8;
	[tilespmem:$0x10100] =	vst v63  }
0x3f: {  	_ = 	snop  }
0x40: {  	[hbm4b:s6+s2] =	stream.indirect_vreg.scatter [tilespmem:s30], [sflag:$0x1], $0x80, v4, vm0, $0xb8;
	[tilespmem:$0x10100] =	vst v63  }
0x41: {  	_ = 	snop  }
0x42: {  	[hbm4b:s3+s2] =	stream.indirect_vreg.scatter [tilespmem:s31], [sflag:$0x1], $0x80, v3, vm0, $0xb8;
	[tilespmem:$0x10100] =	vst v63  }
0x43: {  	s1 =	simm.s32 $0x6900  }
0x44: {  	[hbm4b:s4+s2] =	stream.indirect_vreg.scatter [tilespmem:s1], [sflag:$0x1], $0x80, v3, vm0, $0xb8;
	[tilespmem:$0x10100] =	vst v63  }
0x45: {  	s9 =	simm.s32 $0x7100  }
0x46: {  	[hbm4b:s5+s2] =	stream.indirect_vreg.scatter [tilespmem:s9], [sflag:$0x1], $0x80, v3, vm0, $0xb8;
	[tilespmem:$0x10100] =	vst v63  }
0x47: {  	_ = 	snop  }
0x48: {  	[hbm4b:s6+s2] =	stream.indirect_vreg.scatter [tilespmem:s10], [sflag:$0x1], $0x80, v3, vm0, $0xb8;
	[tilespmem:$0x10100] =	vst v63  }
0x49: {  	v3 =	vld [tilespmem:$0x20];
	_ =	sdelay $0x4  }
0x4a: {  	v58 =	vshll.u32 v3, $0x3  }
0x4b: {  	v3 =	vand.u32 $0x7, v3;
	v4 =	vand.u32 $0xFFFFFFC0, v58  }
0x4c: {  	v3 =	vor.u32 v3, v4  }
0x4d: {  	v4 =	vperm.xlane v3, v0;
	_ =	sdelay $0x1  }
0x4e: {  	v4 =	vadd.s32 v1, v4;
	_ =	sdelay $0x4  }
0x4f: {  	[hbm4b:s3+s2] =	stream.indirect_vreg.scatter [tilespmem:s11], [sflag:$0x1], $0x80, v4, vm0, $0xb8;
	[tilespmem:$0x10100] =	vst v63  }
0x50: {  	v3 =	vperm.xlane v3, v2  }
0x51: {  	[hbm4b:s4+s2] =	stream.indirect_vreg.scatter [tilespmem:s12], [sflag:$0x1], $0x80, v4, vm0, $0xb8;
	[tilespmem:$0x10100] =	vst v63  }
0x52: {  	v3 =	vadd.s32 v1, v3  }
0x53: {  	[hbm4b:s5+s2] =	stream.indirect_vreg.scatter [tilespmem:s13], [sflag:$0x1], $0x80, v4, vm0, $0xb8;
	[tilespmem:$0x10100] =	vst v63  }
0x54: {  	_ = 	snop  }
0x55: {  	[hbm4b:s6+s2] =	stream.indirect_vreg.scatter [tilespmem:s14], [sflag:$0x1], $0x80, v4, vm0, $0xb8;
	[tilespmem:$0x10100] =	vst v63  }
0x56: {  	_ = 	snop  }
0x57: {  	[hbm4b:s3+s2] =	stream.indirect_vreg.scatter [tilespmem:s15], [sflag:$0x1], $0x80, v3, vm0, $0xb8;
	[tilespmem:$0x10100] =	vst v63  }
0x58: {  	_ = 	snop  }
0x59: {  	[hbm4b:s4+s2] =	stream.indirect_vreg.scatter [tilespmem:s16], [sflag:$0x1], $0x80, v3, vm0, $0xb8;
	[tilespmem:$0x10100] =	vst v63  }
0x5a: {  	_ = 	snop  }
0x5b: {  	[hbm4b:s5+s2] =	stream.indirect_vreg.scatter [tilespmem:s17], [sflag:$0x1], $0x80, v3, vm0, $0xb8;
	[tilespmem:$0x10100] =	vst v63  }
0x5c: {  	s9 =	simm.s32 $0xB900  }
0x5d: {  	[hbm4b:s6+s2] =	stream.indirect_vreg.scatter [tilespmem:s9], [sflag:$0x1], $0x80, v3, vm0, $0xb8;
	[tilespmem:$0x10100] =	vst v63  }
0x5e: {  	v3 =	vld [tilespmem:$0x30];
	_ =	sdelay $0x4  }
0x5f: {  	v59 =	vshll.u32 v3, $0x3  }
0x60: {  	v3 =	vand.u32 $0x7, v3;
	v4 =	vand.u32 $0xFFFFFFC0, v59  }
0x61: {  	v3 =	vor.u32 v3, v4  }
0x62: {  	v4 =	vperm.xlane v3, v0;
	_ =	sdelay $0x1  }
0x63: {  	v4 =	vadd.s32 v1, v4;
	_ =	sdelay $0x3  }
0x64: {  	s1 =	simm.s32 $0xC100  }
0x65: {  	[hbm4b:s3+s2] =	stream.indirect_vreg.scatter [tilespmem:s1], [sflag:$0x1], $0x80, v4, vm0, $0xb8;
	[tilespmem:$0x10100] =	vst v63  }
0x66: {  	v3 =	vperm.xlane v3, v2;
	s1 =	simm.s32 $0xC900  }
0x67: {  	[hbm4b:s4+s2] =	stream.indirect_vreg.scatter [tilespmem:s1], [sflag:$0x1], $0x80, v4, vm0, $0xb8;
	[tilespmem:$0x10100] =	vst v63  }
0x68: {  	v3 =	vadd.s32 v1, v3;
	s1 =	simm.s32 $0xD100  }
0x69: {  	[hbm4b:s5+s2] =	stream.indirect_vreg.scatter [tilespmem:s1], [sflag:$0x1], $0x80, v4, vm0, $0xb8;
	[tilespmem:$0x10100] =	vst v63  }
0x6a: {  	s1 =	simm.s32 $0xD900  }
0x6b: {  	[hbm4b:s6+s2] =	stream.indirect_vreg.scatter [tilespmem:s1], [sflag:$0x1], $0x80, v4, vm0, $0xb8;
	[tilespmem:$0x10100] =	vst v63  }
0x6c: {  	s1 =	simm.s32 $0xE100  }
0x6d: {  	[hbm4b:s3+s2] =	stream.indirect_vreg.scatter [tilespmem:s1], [sflag:$0x1], $0x80, v3, vm0, $0xb8;
	[tilespmem:$0x10100] =	vst v63  }
0x6e: {  	s1 =	simm.s32 $0xE900  }
0x6f: {  	[hbm4b:s4+s2] =	stream.indirect_vreg.scatter [tilespmem:s1], [sflag:$0x1], $0x80, v3, vm0, $0xb8;
	[tilespmem:$0x10100] =	vst v63  }
0x70: {  	s1 =	simm.s32 $0xF100  }
0x71: {  	[hbm4b:s5+s2] =	stream.indirect_vreg.scatter [tilespmem:s1], [sflag:$0x1], $0x80, v3, vm0, $0xb8;
	[tilespmem:$0x10100] =	vst v63  }
0x72: {  	s1 =	simm.s32 $0xF900  }
0x73: {  	[hbm4b:s6+s2] =	stream.indirect_vreg.scatter [tilespmem:s1], [sflag:$0x1], $0x80, v3, vm0, $0xb8;
	[tilespmem:$0x10100] =	vst v63  }
0x74: {  	_ =	swait.ge [sflag:s18], $0x10000  }
0x75: {  	[sflag:s18] =	ssyncset.done $0x0  }
0x76: {  	[sflag:s18] =	ssyncadd.s32 $0xFFFF0000  }
0x77: {  	v3 =	vld [tilespmem:$0x80];
	_ =	sdelay $0x4  }
0x78: {  	v60 =	vshll.u32 v3, $0x3  }
0x79: {  	v3 =	vand.u32 $0x7, v3;
	v4 =	vand.u32 $0xFFFFFFC0, v60  }
0x7a: {  	v3 =	vor.u32 v3, v4  }
0x7b: {  	v4 =	vperm.xlane v3, v0;
	_ =	sdelay $0x1  }
0x7c: {  	v4 =	vadd.s32 v1, v4;
	_ =	sdelay $0x4  }
0x7d: {  	[hbm4b:s3+s2] =	stream.indirect_vreg.scatter [tilespmem:s0], [sflag:$0x1], $0x80, v4, vm0, $0xb8;
	[tilespmem:$0x10100] =	vst v63  }
0x7e: {  	v3 =	vperm.xlane v3, v2  }
0x7f: {  	[hbm4b:s4+s2] =	stream.indirect_vreg.scatter [tilespmem:s19], [sflag:$0x1], $0x80, v4, vm0, $0xb8;
	[tilespmem:$0x10100] =	vst v63  }
0x80: {  	v3 =	vadd.s32 v1, v3  }
0x81: {  	[hbm4b:s5+s2] =	stream.indirect_vreg.scatter [tilespmem:s20], [sflag:$0x1], $0x80, v4, vm0, $0xb8;
	[tilespmem:$0x10100] =	vst v63  }
0x82: {  	_ = 	snop  }
0x83: {  	[hbm4b:s6+s2] =	stream.indirect_vreg.scatter [tilespmem:s21], [sflag:$0x1], $0x80, v4, vm0, $0xb8;
	[tilespmem:$0x10100] =	vst v63  }
0x84: {  	_ = 	snop  }
0x85: {  	[hbm4b:s3+s2] =	stream.indirect_vreg.scatter [tilespmem:s22], [sflag:$0x1], $0x80, v3, vm0, $0xb8;
	[tilespmem:$0x10100] =	vst v63  }
0x86: {  	_ = 	snop  }
0x87: {  	[hbm4b:s4+s2] =	stream.indirect_vreg.scatter [tilespmem:s23], [sflag:$0x1], $0x80, v3, vm0, $0xb8;
	[tilespmem:$0x10100] =	vst v63  }
0x88: {  	_ = 	snop  }
0x89: {  	[hbm4b:s5+s2] =	stream.indirect_vreg.scatter [tilespmem:s24], [sflag:$0x1], $0x80, v3, vm0, $0xb8;
	[tilespmem:$0x10100] =	vst v63  }
0x8a: {  	_ = 	snop  }
0x8b: {  	[hbm4b:s6+s2] =	stream.indirect_vreg.scatter [tilespmem:s25], [sflag:$0x1], $0x80, v3, vm0, $0xb8;
	[tilespmem:$0x10100] =	vst v63  }
0x8c: {  	v3 =	vld [tilespmem:$0x90];
	_ =	sdelay $0x4  }
0x8d: {  	v61 =	vshll.u32 v3, $0x3  }
0x8e: {  	v3 =	vand.u32 $0x7, v3;
	v4 =	vand.u32 $0xFFFFFFC0, v61  }
0x8f: {  	v3 =	vor.u32 v3, v4  }
0x90: {  	v4 =	vperm.xlane v3, v0;
	_ =	sdelay $0x1  }
0x91: {  	v4 =	vadd.s32 v1, v4;
	_ =	sdelay $0x4  }
0x92: {  	[hbm4b:s3+s2] =	stream.indirect_vreg.scatter [tilespmem:s26], [sflag:$0x1], $0x80, v4, vm0, $0xb8;
	[tilespmem:$0x10100] =	vst v63  }
0x93: {  	v3 =	vperm.xlane v3, v2  }
0x94: {  	[hbm4b:s4+s2] =	stream.indirect_vreg.scatter [tilespmem:s28], [sflag:$0x1], $0x80, v4, vm0, $0xb8;
	[tilespmem:$0x10100] =	vst v63  }
0x95: {  	v3 =	vadd.s32 v1, v3  }
0x96: {  	[hbm4b:s5+s2] =	stream.indirect_vreg.scatter [tilespmem:s29], [sflag:$0x1], $0x80, v4, vm0, $0xb8;
	[tilespmem:$0x10100] =	vst v63  }
0x97: {  	_ = 	snop  }
0x98: {  	[hbm4b:s6+s2] =	stream.indirect_vreg.scatter [tilespmem:s30], [sflag:$0x1], $0x80, v4, vm0, $0xb8;
	[tilespmem:$0x10100] =	vst v63  }
0x99: {  	_ = 	snop  }
0x9a: {  	[hbm4b:s3+s2] =	stream.indirect_vreg.scatter [tilespmem:s31], [sflag:$0x1], $0x80, v3, vm0, $0xb8;
	[tilespmem:$0x10100] =	vst v63  }
0x9b: {  	s20 =	simm.s32 $0x6900  }
0x9c: {  	[hbm4b:s4+s2] =	stream.indirect_vreg.scatter [tilespmem:s20], [sflag:$0x1], $0x80, v3, vm0, $0xb8;
	[tilespmem:$0x10100] =	vst v63  }
0x9d: {  	s19 =	simm.s32 $0x7100  }
0x9e: {  	[hbm4b:s5+s2] =	stream.indirect_vreg.scatter [tilespmem:s19], [sflag:$0x1], $0x80, v3, vm0, $0xb8;
	[tilespmem:$0x10100] =	vst v63  }
0x9f: {  	_ = 	snop  }
0xa0: {  	[hbm4b:s6+s2] =	stream.indirect_vreg.scatter [tilespmem:s10], [sflag:$0x1], $0x80, v3, vm0, $0xb8;
	[tilespmem:$0x10100] =	vst v63  }
0xa1: {  	v3 =	vld [tilespmem:$0xA0];
	_ =	sdelay $0x4  }
0xa2: {  	v62 =	vshll.u32 v3, $0x3  }
0xa3: {  	v3 =	vand.u32 $0x7, v3;
	v4 =	vand.u32 $0xFFFFFFC0, v62  }
0xa4: {  	v3 =	vor.u32 v3, v4  }
0xa5: {  	v4 =	vperm.xlane v3, v0;
	_ =	sdelay $0x1  }
0xa6: {  	v4 =	vadd.s32 v1, v4;
	_ =	sdelay $0x4  }
0xa7: {  	[hbm4b:s3+s2] =	stream.indirect_vreg.scatter [tilespmem:s11], [sflag:$0x1], $0x80, v4, vm0, $0xb8;
	[tilespmem:$0x10100] =	vst v63  }
0xa8: {  	v3 =	vperm.xlane v3, v2  }
0xa9: {  	[hbm4b:s4+s2] =	stream.indirect_vreg.scatter [tilespmem:s12], [sflag:$0x1], $0x80, v4, vm0, $0xb8;
	[tilespmem:$0x10100] =	vst v63  }
0xaa: {  	v3 =	vadd.s32 v1, v3  }
0xab: {  	[hbm4b:s5+s2] =	stream.indirect_vreg.scatter [tilespmem:s13], [sflag:$0x1], $0x80, v4, vm0, $0xb8;
	[tilespmem:$0x10100] =	vst v63  }
0xac: {  	_ = 	snop  }
0xad: {  	[hbm4b:s6+s2] =	stream.indirect_vreg.scatter [tilespmem:s14], [sflag:$0x1], $0x80, v4, vm0, $0xb8;
	[tilespmem:$0x10100] =	vst v63  }
0xae: {  	_ = 	snop  }
0xaf: {  	[hbm4b:s3+s2] =	stream.indirect_vreg.scatter [tilespmem:s15], [sflag:$0x1], $0x80, v3, vm0, $0xb8;
	[tilespmem:$0x10100] =	vst v63  }
0xb0: {  	_ = 	snop  }
0xb1: {  	[hbm4b:s4+s2] =	stream.indirect_vreg.scatter [tilespmem:s16], [sflag:$0x1], $0x80, v3, vm0, $0xb8;
	[tilespmem:$0x10100] =	vst v63  }
0xb2: {  	_ = 	snop  }
0xb3: {  	[hbm4b:s5+s2] =	stream.indirect_vreg.scatter [tilespmem:s17], [sflag:$0x1], $0x80, v3, vm0, $0xb8;
	[tilespmem:$0x10100] =	vst v63  }
0xb4: {  	_ = 	snop  }
0xb5: {  	[hbm4b:s6+s2] =	stream.indirect_vreg.scatter [tilespmem:s9], [sflag:$0x1], $0x80, v3, vm0, $0xb8;
	[tilespmem:$0x10100] =	vst v63  }
0xb6: {  	v3 =	vld [tilespmem:$0xB0];
	_ =	sdelay $0x4  }
0xb7: {  	v63 =	vshll.u32 v3, $0x3  }
0xb8: {  	v3 =	vand.u32 $0x7, v3;
	v4 =	vand.u32 $0xFFFFFFC0, v63  }
0xb9: {  	v3 =	vor.u32 v3, v4  }
0xba: {  	v4 =	vperm.xlane v3, v0;
	_ =	sdelay $0x1  }
0xbb: {  	v4 =	vadd.s32 v1, v4;
	_ =	sdelay $0x3  }
0xbc: {  	s20 =	simm.s32 $0xC100  }
0xbd: {  	[hbm4b:s3+s2] =	stream.indirect_vreg.scatter [tilespmem:s20], [sflag:$0x1], $0x80, v4, vm0, $0xb8;
	[tilespmem:$0x10100] =	vst v63  }
0xbe: {  	s9 =	simm.s32 $0xC900;
	v3 =	vperm.xlane v3, v2  }
0xbf: {  	[hbm4b:s4+s2] =	stream.indirect_vreg.scatter [tilespmem:s9], [sflag:$0x1], $0x80, v4, vm0, $0xb8;
	[tilespmem:$0x10100] =	vst v63  }
0xc0: {  	s19 =	simm.s32 $0xD100;
	v3 =	vadd.s32 v1, v3  }
0xc1: {  	[hbm4b:s5+s2] =	stream.indirect_vreg.scatter [tilespmem:s19], [sflag:$0x1], $0x80, v4, vm0, $0xb8;
	[tilespmem:$0x10100] =	vst v63  }
0xc2: {  	s20 =	simm.s32 $0xD900  }
0xc3: {  	[hbm4b:s6+s2] =	stream.indirect_vreg.scatter [tilespmem:s20], [sflag:$0x1], $0x80, v4, vm0, $0xb8;
	[tilespmem:$0x10100] =	vst v63  }
0xc4: {  	s9 =	simm.s32 $0xE100  }
0xc5: {  	[hbm4b:s3+s2] =	stream.indirect_vreg.scatter [tilespmem:s9], [sflag:$0x1], $0x80, v3, vm0, $0xb8;
	[tilespmem:$0x10100] =	vst v63  }
0xc6: {  	s19 =	simm.s32 $0xE900  }
0xc7: {  	[hbm4b:s4+s2] =	stream.indirect_vreg.scatter [tilespmem:s19], [sflag:$0x1], $0x80, v3, vm0, $0xb8;
	[tilespmem:$0x10100] =	vst v63  }
0xc8: {  	p0 =	sne.s32 s7, $0x1;
	s20 =	simm.s32 $0xF100  }
0xc9: {  	[hbm4b:s5+s2] =	stream.indirect_vreg.scatter [tilespmem:s20], [sflag:$0x1], $0x80, v3, vm0, $0xb8;
	[tilespmem:$0x10100] =	vst v63  }
.Ltmp0:
0xca: {  	_ = 	snop;
	(pc) =	sbr.rel @p0 .LBB2_1-.Ltmp0, $4  }
0xcb: {  	[hbm4b:s6+s2] =	stream.indirect_vreg.scatter [tilespmem:s1], [sflag:$0x1], $0x80, v3, vm0, $0xb8;
	[tilespmem:$0x10100] =	vst v63  }
0xcc: {  	_ =	swait.ge [sflag:s18], $0x10000  }
0xcd: {  	[sflag:s18] =	ssyncset.done $0x0  }
0xce: {  	s7 =	sadd.s32 $0xFFFFFFFF, s7;
	[sflag:s18] =	ssyncadd.s32 $0xFFFF0000  }
0xcf: {  	_ =	sfence.sel $0x180000  }
0xd0: {  	[bflag:$0x0] =	sbarrier.arrive $0xFFFF  }
0xd1: {  	_ =	strace $0x90000047  }
0xd2: {  	s0 =	stileid.u32;
	[bflag:$0x2] =	sbarrier.arrive $0xFFFF  }
0xd3: {  	p0 =	sne.s32 s0, $0x0;
	s0 =	rddreg [dreg:$0x2]  }
0xd4: {  	s0 =	sadd.s32 @!p0 $0x100000, s0  }
0xd5: {  	[sflag:s0] =	ssyncadd.tile.s32 @!p0 $0x1;
	_ =	shalt  }
.Lfunc_end2:
_tile_overlayer_lowered:
.L_overlay_start_2:
0xd6: {  	(tag) =	ssettag $0x2  }
0xd7: {  	s0 =	rddreg [dreg:$0x0];
	s2 =	stileid.u32  }
0xd8: {  	s1 =	rddreg [dreg:$0x1];
	p0 =	sne.s32 s2, $0x0  }
0xd9: {  	s3 =	rddreg [dreg:$0x2];
	[bflag:$0x3] =	sbarrier.arrive $0xFFFF;
	s2 =	simm.s32 @!p0 $0x1C02  }
0xda: {  	[timem:s3], [sflag:s2] =	dma.local @!p0 [hbm:s0], s1  }
0xdb: {  	s0 =	simm.s32 @!p0 $0x2  }
0xdc: {  	_ =	swait.ge @!p0 [sflag:s0], s1  }
0xdd: {  	s1 =	ssub.s32 @!p0 $0x0, s1;
	[sflag:s0] =	ssyncset.done @!p0 $0x0  }
0xde: {  	[sflag:s0] =	ssyncadd.s32 @!p0 s1  }
0xdf: {  	[bflag:$0x3] =	sbarrier.arrive $0xFFFF  }
0xe0: {  	_ =	shalt  }

</sc_bundles>
